<compile_context>
chip_gen: v7x
topology: tpu7x:2x2x1
jax: 0.10.2.dev20260603
libtpu: 0.0.44.dev20260713+nightly
codegen_flags: <defaults>
</compile_context>

<pallas_src>
import jax
import jax.numpy as jnp
from jax import lax
from jax.experimental import pallas as pl
from jax.experimental.pallas import tpu as pltpu
from jax.experimental.pallas import tpu_sc as plsc

_D = 256
_B = 64 * 1024
_NC = 2
_NS = 16
_NW = _NC * _NS
_BPW = _B // _NW
_CHUNK = 128
_NCHUNK = _BPW // _CHUNK


def _gather_body(idx_hbm, table_hbm, out_hbm, idx_v, rows_v, gsem, ssem):
    wid = lax.axis_index("s") * _NC + lax.axis_index("c")
    base = wid * _BPW

    pltpu.sync_copy(idx_hbm.at[wid], idx_v)

    def gather_start(j, b):
        pltpu.async_copy(table_hbm.at[idx_v.at[j]], rows_v.at[b], gsem.at[b])

    def gather_wait(b):
        pltpu.make_async_copy(table_hbm.at[idx_v.at[0]], rows_v.at[b], gsem.at[b]).wait()

    def scatter_start(j, b):
        pltpu.async_copy(rows_v.at[b], out_hbm.at[pl.ds(base + j * _CHUNK, _CHUNK)], ssem.at[b])

    def scatter_wait(b):
        pltpu.make_async_copy(rows_v.at[b], out_hbm.at[pl.ds(base, _CHUNK)], ssem.at[b]).wait()

    gather_start(0, 0)
    gather_start(1, 1)

    def step(i, carry):
        j2 = i * 2
        for b in range(2):
            j = j2 + b
            gather_wait(b)
            scatter_start(j, b)
            scatter_wait(b)
            gather_start(j + 2, b)
        return carry

    lax.fori_loop(0, _NCHUNK // 2 - 1, step, 0)

    for b in range(2):
        j = _NCHUNK - 2 + b
        gather_wait(b)
        scatter_start(j, b)
        scatter_wait(b)


_gather_call = pl.kernel(
    _gather_body,
    out_type=jax.ShapeDtypeStruct((_B, _D), jnp.float32),
    mesh=plsc.VectorSubcoreMesh(core_axis_name="c", subcore_axis_name="s"),
    scratch_types=[
        pltpu.VMEM((_NCHUNK, _CHUNK), jnp.int32),
        pltpu.VMEM((2, _CHUNK, _D), jnp.float32),
        pltpu.SemaphoreType.DMA((2,)),
        pltpu.SemaphoreType.DMA((2,)),
    ],
)


@jax.jit
def kernel(embed_id, weight):
    idx = embed_id.astype(jnp.int32).reshape(_NW, _NCHUNK, _CHUNK)
    out = _gather_call(idx, weight)
    return out.reshape(*embed_id.shape, _D)

# --- scband reference (transcript-rebuilt; emitter-appended) ---
"""Pipeline reference for scband-embedding-ema-1726576853895 (READ-ONLY COPY).

The authoritative reference and input builder live on the scoring server;
editing this copy changes nothing except your own understanding.
"""

import jax, jax.numpy as jnp
import numpy as np

NUM_TOKENS = 8192
CODEBOOK_DIM = 256

def setup_inputs(seed: int = 0) -> dict:
    key = jax.random.key(seed)
    k1, k2 = jax.random.split(key)
    embed_id = jax.random.randint(k1, (64, 1024), 0, NUM_TOKENS, dtype=jnp.int64 if jax.config.jax_enable_x64 else jnp.int32)
    # kmeans_init=False path: weight = normalize(randn(num_tokens, codebook_dim), p=2, dim=-1)
    w = jax.random.normal(k2, (NUM_TOKENS, CODEBOOK_DIM), dtype=jnp.float32)
    w = w / jnp.clip(jnp.linalg.norm(w, ord=2, axis=-1, keepdims=True), 1e-12, None)
    return {"embed_id": embed_id, "weight": w}

def reference(embed_id, weight):
    # F.embedding(embed_id, self.weight)
    return jnp.take(weight, embed_id, axis=0)

if __name__ == "__main__":
    import jax
    _d = setup_inputs()
    print(jax.jit(kernel)(*tuple(_d.values())))

</pallas_src>

<mosaic_0001>
#map = affine_map<(d0, d1) -> (0, 0, 0)>
#map1 = affine_map<(d0, d1) -> (0, 0)>
module attributes {stable_mosaic.version = 14 : i64} {
  func.func @_gather_body(%arg0: i32, %arg1: i32, %arg2: memref<32x16x128xi32, #tpu.memory_space<hbm>>, %arg3: memref<8192x256xf32, #tpu.memory_space<hbm>>, %arg4: memref<65536x256xf32, #tpu.memory_space<hbm>>, %arg5: memref<16x128xi32, #tpu.memory_space<vmem>>, %arg6: memref<2x128x256xf32, #tpu.memory_space<vmem>>, %arg7: memref<2x!tpu.dma_semaphore, #tpu.memory_space<semaphore_mem>>, %arg8: memref<2x!tpu.dma_semaphore, #tpu.memory_space<semaphore_mem>>) attributes {dimension_semantics = [#tpu.dimension_semantics<core_parallel>, #tpu.dimension_semantics<subcore_parallel>], iteration_bounds = array<i64: 2, 16>, scalar_prefetch = 0 : i64, scratch_operands = 4 : i64, tpu.core_type = #tpu.core_type<sc_vector_subcore>, window_params = [{transform_indices = #map}, {transform_indices = #map1}, {transform_indices = #map1}]} {
    %mul3A = arith.constant 2 : i32
    %mul3A_0 = arith.muli %arg1, %mul3A : i32
    %add3A = arith.addi %mul3A_0, %arg0 : i32
    %mul3A_1 = arith.constant 2048 : i32
    %mul3A_2 = arith.muli %add3A, %mul3A_1 : i32
    "tpu.region"() ({
      %run_scoped3A = tpu.sem_alloc : memref<!tpu.dma_semaphore, #tpu.memory_space<semaphore_mem>>
      %dma_start3A_134 = arith.constant 0 : i32
      %dma_start3A_135 = arith.constant 0 : i32
      %dma_start3A_136 = tpu.memref_slice %arg2[%add3A, %dma_start3A_134, %dma_start3A_135] : memref<32x16x128xi32, #tpu.memory_space<hbm>> -> memref<1x16x128xi32, #tpu.memory_space<hbm>>
      %dma_start3A_137 = tpu.memref_squeeze %dma_start3A_136 : memref<1x16x128xi32, #tpu.memory_space<hbm>> -> memref<16x128xi32, #tpu.memory_space<hbm>>
      %dma_start3A_138 = arith.constant 0 : i32
      %dma_start3A_139 = arith.constant 0 : i32
      %dma_start3A_140 = tpu.memref_slice %arg2[%add3A, %dma_start3A_138, %dma_start3A_139] : memref<32x16x128xi32, #tpu.memory_space<hbm>> -> memref<1x16x128xi32, #tpu.memory_space<hbm>>
      %dma_start3A_141 = tpu.memref_squeeze %dma_start3A_140 : memref<1x16x128xi32, #tpu.memory_space<hbm>> -> memref<16x128xi32, #tpu.memory_space<hbm>>
      tpu.enqueue_dma source(%dma_start3A_141 : memref<16x128xi32, #tpu.memory_space<hbm>>) target(%arg5 : memref<16x128xi32, #tpu.memory_space<vmem>>) target_semaphore(%run_scoped3A : memref<!tpu.dma_semaphore, #tpu.memory_space<semaphore_mem>>)
      %dma_wait3A_142 = arith.constant 0 : i32
      %dma_wait3A_143 = arith.constant 0 : i32
      %dma_wait3A_144 = tpu.memref_slice %arg2[%add3A, %dma_wait3A_142, %dma_wait3A_143] : memref<32x16x128xi32, #tpu.memory_space<hbm>> -> memref<1x16x128xi32, #tpu.memory_space<hbm>>
      %dma_wait3A_145 = tpu.memref_squeeze %dma_wait3A_144 : memref<1x16x128xi32, #tpu.memory_space<hbm>> -> memref<16x128xi32, #tpu.memory_space<hbm>>
      %dma_wait3A_146 = arith.constant 0 : i32
      %dma_wait3A_147 = arith.constant 0 : i32
      %dma_wait3A_148 = tpu.memref_slice %arg2[%add3A, %dma_wait3A_146, %dma_wait3A_147] : memref<32x16x128xi32, #tpu.memory_space<hbm>> -> memref<1x16x128xi32, #tpu.memory_space<hbm>>
      %dma_wait3A_149 = tpu.memref_squeeze %dma_wait3A_148 : memref<1x16x128xi32, #tpu.memory_space<hbm>> -> memref<16x128xi32, #tpu.memory_space<hbm>>
      tpu.wait_dma2 semaphore(%run_scoped3A : memref<!tpu.dma_semaphore, #tpu.memory_space<semaphore_mem>>) src(%dma_wait3A_149 : memref<16x128xi32, #tpu.memory_space<hbm>>) dst(%arg5 : memref<16x128xi32, #tpu.memory_space<vmem>>)
      tpu.yield
    }) : () -> ()
    %dma_start3A = arith.constant 0 : i32
    %dma_start3A_3 = arith.constant 0 : i32
    %dma_start3A_4 = arith.constant 0 : i32
    %dma_start3A_5 = arith.constant 0 : i32
    %dma_start3A_6 = arith.constant 0 : i32
    %dma_start3A_7 = tpu.memref_slice %arg6[%dma_start3A_3, %dma_start3A_5, %dma_start3A_6] : memref<2x128x256xf32, #tpu.memory_space<vmem>> -> memref<1x128x256xf32, #tpu.memory_space<vmem>>
    %dma_start3A_8 = tpu.memref_squeeze %dma_start3A_7 : memref<1x128x256xf32, #tpu.memory_space<vmem>> -> memref<128x256xf32, #tpu.memory_space<vmem>>
    %dma_start3A_9 = arith.constant 0 : i32
    %dma_start3A_10 = tpu.memref_slice %arg5[%dma_start3A, %dma_start3A_9] : memref<16x128xi32, #tpu.memory_space<vmem>> -> memref<1x128xi32, #tpu.memory_space<vmem>>
    %dma_start3A_11 = tpu.memref_squeeze %dma_start3A_10 : memref<1x128xi32, #tpu.memory_space<vmem>> -> memref<128xi32, #tpu.memory_space<vmem>>
    %dma_start3A_12 = arith.constant 0 : i32
    %dma_start3A_13 = arith.constant 0 : i32
    %dma_start3A_14 = tpu.memref_slice %arg3[%dma_start3A_12, %dma_start3A_13] : memref<8192x256xf32, #tpu.memory_space<hbm>> -> memref<8192x256xf32, #tpu.memory_space<hbm>>
    %dma_start3A_15 = tpu.memref_slice %arg7[%dma_start3A_4] : memref<2x!tpu.dma_semaphore, #tpu.memory_space<semaphore_mem>> -> memref<1x!tpu.dma_semaphore, #tpu.memory_space<semaphore_mem>>
    %dma_start3A_16 = tpu.memref_squeeze %dma_start3A_15 : memref<1x!tpu.dma_semaphore, #tpu.memory_space<semaphore_mem>> -> memref<!tpu.dma_semaphore, #tpu.memory_space<semaphore_mem>>
    tpu.enqueue_indirect_dma source(%dma_start3A_14 : memref<8192x256xf32, #tpu.memory_space<hbm>>) target(%dma_start3A_8 : memref<128x256xf32, #tpu.memory_space<vmem>>) offsets(%dma_start3A_11 : memref<128xi32, #tpu.memory_space<vmem>>) semaphore(%dma_start3A_16 : memref<!tpu.dma_semaphore, #tpu.memory_space<semaphore_mem>>)
    %dma_start3A_17 = arith.constant 1 : i32
    %dma_start3A_18 = arith.constant 1 : i32
    %dma_start3A_19 = arith.constant 1 : i32
    %dma_start3A_20 = arith.constant 0 : i32
    %dma_start3A_21 = arith.constant 0 : i32
    %dma_start3A_22 = tpu.memref_slice %arg6[%dma_start3A_18, %dma_start3A_20, %dma_start3A_21] : memref<2x128x256xf32, #tpu.memory_space<vmem>> -> memref<1x128x256xf32, #tpu.memory_space<vmem>>
    %dma_start3A_23 = tpu.memref_squeeze %dma_start3A_22 : memref<1x128x256xf32, #tpu.memory_space<vmem>> -> memref<128x256xf32, #tpu.memory_space<vmem>>
    %dma_start3A_24 = arith.constant 0 : i32
    %dma_start3A_25 = tpu.memref_slice %arg5[%dma_start3A_17, %dma_start3A_24] : memref<16x128xi32, #tpu.memory_space<vmem>> -> memref<1x128xi32, #tpu.memory_space<vmem>>
    %dma_start3A_26 = tpu.memref_squeeze %dma_start3A_25 : memref<1x128xi32, #tpu.memory_space<vmem>> -> memref<128xi32, #tpu.memory_space<vmem>>
    %dma_start3A_27 = arith.constant 0 : i32
    %dma_start3A_28 = arith.constant 0 : i32
    %dma_start3A_29 = tpu.memref_slice %arg3[%dma_start3A_27, %dma_start3A_28] : memref<8192x256xf32, #tpu.memory_space<hbm>> -> memref<8192x256xf32, #tpu.memory_space<hbm>>
    %dma_start3A_30 = tpu.memref_slice %arg7[%dma_start3A_19] : memref<2x!tpu.dma_semaphore, #tpu.memory_space<semaphore_mem>> -> memref<1x!tpu.dma_semaphore, #tpu.memory_space<semaphore_mem>>
    %dma_start3A_31 = tpu.memref_squeeze %dma_start3A_30 : memref<1x!tpu.dma_semaphore, #tpu.memory_space<semaphore_mem>> -> memref<!tpu.dma_semaphore, #tpu.memory_space<semaphore_mem>>
    tpu.enqueue_indirect_dma source(%dma_start3A_29 : memref<8192x256xf32, #tpu.memory_space<hbm>>) target(%dma_start3A_23 : memref<128x256xf32, #tpu.memory_space<vmem>>) offsets(%dma_start3A_26 : memref<128xi32, #tpu.memory_space<vmem>>) semaphore(%dma_start3A_31 : memref<!tpu.dma_semaphore, #tpu.memory_space<semaphore_mem>>)
    %scan3A = arith.constant 0 : i32
    %scan3A_32 = arith.constant 0 : i32
    %scan3A_33 = arith.constant 7 : i32
    %scan3A_34 = arith.addi %scan3A_32, %scan3A_33 : i32
    %scan3A_35 = arith.constant 1 : i32
    scf.for %scan3A_134 = %scan3A_32 to %scan3A_34 step %scan3A_35  : i32 {
      %mul3A_135 = arith.constant 2 : i32
      %mul3A_136 = arith.muli %scan3A_134, %mul3A_135 : i32
      %add3A_137 = arith.constant 0 : i32
      %add3A_138 = arith.addi %mul3A_136, %add3A_137 : i32
      %dma_wait3A_139 = arith.constant 0 : i32
      %dma_wait3A_140 = arith.constant 0 : i32
      %dma_wait3A_141 = arith.constant 0 : i32
      %dma_wait3A_142 = arith.constant 0 : i32
      %dma_wait3A_143 = arith.constant 0 : i32
      %dma_wait3A_144 = tpu.memref_slice %arg6[%dma_wait3A_140, %dma_wait3A_142, %dma_wait3A_143] : memref<2x128x256xf32, #tpu.memory_space<vmem>> -> memref<1x128x256xf32, #tpu.memory_space<vmem>>
      %dma_wait3A_145 = tpu.memref_squeeze %dma_wait3A_144 : memref<1x128x256xf32, #tpu.memory_space<vmem>> -> memref<128x256xf32, #tpu.memory_space<vmem>>
      %dma_wait3A_146 = arith.constant 0 : i32
      %dma_wait3A_147 = tpu.memref_slice %arg5[%dma_wait3A_139, %dma_wait3A_146] : memref<16x128xi32, #tpu.memory_space<vmem>> -> memref<1x128xi32, #tpu.memory_space<vmem>>
      %dma_wait3A_148 = tpu.memref_squeeze %dma_wait3A_147 : memref<1x128xi32, #tpu.memory_space<vmem>> -> memref<128xi32, #tpu.memory_space<vmem>>
      %dma_wait3A_149 = arith.constant 0 : i32
      %dma_wait3A_150 = arith.constant 0 : i32
      %dma_wait3A_151 = tpu.memref_slice %arg3[%dma_wait3A_149, %dma_wait3A_150] : memref<8192x256xf32, #tpu.memory_space<hbm>> -> memref<8192x256xf32, #tpu.memory_space<hbm>>
      %dma_wait3A_152 = tpu.memref_slice %arg7[%dma_wait3A_141] : memref<2x!tpu.dma_semaphore, #tpu.memory_space<semaphore_mem>> -> memref<1x!tpu.dma_semaphore, #tpu.memory_space<semaphore_mem>>
      %dma_wait3A_153 = tpu.memref_squeeze %dma_wait3A_152 : memref<1x!tpu.dma_semaphore, #tpu.memory_space<semaphore_mem>> -> memref<!tpu.dma_semaphore, #tpu.memory_space<semaphore_mem>>
      tpu.wait_indirect_dma semaphore(%dma_wait3A_153 : memref<!tpu.dma_semaphore, #tpu.memory_space<semaphore_mem>>) src(%dma_wait3A_151 : memref<8192x256xf32, #tpu.memory_space<hbm>>) dst(%dma_wait3A_145 : memref<128x256xf32, #tpu.memory_space<vmem>>)
      %mul3A_154 = arith.constant 128 : i32
      %mul3A_155 = arith.muli %add3A_138, %mul3A_154 : i32
      %add3A_156 = arith.addi %mul3A_2, %mul3A_155 : i32
      %dma_start3A_157 = arith.constant 0 : i32
      %dma_start3A_158 = arith.constant 0 : i32
      %dma_start3A_159 = arith.constant 0 : i32
      %dma_start3A_160 = arith.constant 0 : i32
      %dma_start3A_161 = tpu.memref_slice %arg6[%dma_start3A_157, %dma_start3A_159, %dma_start3A_160] : memref<2x128x256xf32, #tpu.memory_space<vmem>> -> memref<1x128x256xf32, #tpu.memory_space<vmem>>
      %dma_start3A_162 = tpu.memref_squeeze %dma_start3A_161 : memref<1x128x256xf32, #tpu.memory_space<vmem>> -> memref<128x256xf32, #tpu.memory_space<vmem>>
      %dma_start3A_163 = arith.constant 0 : i32
      %dma_start3A_164 = tpu.memref_slice %arg4[%add3A_156, %dma_start3A_163] : memref<65536x256xf32, #tpu.memory_space<hbm>> -> memref<128x256xf32, #tpu.memory_space<hbm>>
      %dma_start3A_165 = tpu.memref_slice %arg8[%dma_start3A_158] : memref<2x!tpu.dma_semaphore, #tpu.memory_space<semaphore_mem>> -> memref<1x!tpu.dma_semaphore, #tpu.memory_space<semaphore_mem>>
      %dma_start3A_166 = tpu.memref_squeeze %dma_start3A_165 : memref<1x!tpu.dma_semaphore, #tpu.memory_space<semaphore_mem>> -> memref<!tpu.dma_semaphore, #tpu.memory_space<semaphore_mem>>
      %dma_start3A_167 = arith.constant 0 : i32
      %dma_start3A_168 = tpu.memref_slice %arg4[%add3A_156, %dma_start3A_167] : memref<65536x256xf32, #tpu.memory_space<hbm>> -> memref<128x256xf32, #tpu.memory_space<hbm>>
      %dma_start3A_169 = arith.constant 0 : i32
      %dma_start3A_170 = arith.constant 0 : i32
      %dma_start3A_171 = tpu.memref_slice %arg6[%dma_start3A_157, %dma_start3A_169, %dma_start3A_170] : memref<2x128x256xf32, #tpu.memory_space<vmem>> -> memref<1x128x256xf32, #tpu.memory_space<vmem>>
      %dma_start3A_172 = tpu.memref_squeeze %dma_start3A_171 : memref<1x128x256xf32, #tpu.memory_space<vmem>> -> memref<128x256xf32, #tpu.memory_space<vmem>>
      tpu.enqueue_dma source(%dma_start3A_172 : memref<128x256xf32, #tpu.memory_space<vmem>>) target(%dma_start3A_168 : memref<128x256xf32, #tpu.memory_space<hbm>>) target_semaphore(%dma_start3A_166 : memref<!tpu.dma_semaphore, #tpu.memory_space<semaphore_mem>>)
      %dma_wait3A_173 = arith.constant 0 : i32
      %dma_wait3A_174 = arith.constant 0 : i32
      %dma_wait3A_175 = arith.constant 0 : i32
      %dma_wait3A_176 = arith.constant 0 : i32
      %dma_wait3A_177 = tpu.memref_slice %arg6[%dma_wait3A_173, %dma_wait3A_175, %dma_wait3A_176] : memref<2x128x256xf32, #tpu.memory_space<vmem>> -> memref<1x128x256xf32, #tpu.memory_space<vmem>>
      %dma_wait3A_178 = tpu.memref_squeeze %dma_wait3A_177 : memref<1x128x256xf32, #tpu.memory_space<vmem>> -> memref<128x256xf32, #tpu.memory_space<vmem>>
      %dma_wait3A_179 = arith.constant 0 : i32
      %dma_wait3A_180 = tpu.memref_slice %arg4[%mul3A_2, %dma_wait3A_179] : memref<65536x256xf32, #tpu.memory_space<hbm>> -> memref<128x256xf32, #tpu.memory_space<hbm>>
      %dma_wait3A_181 = tpu.memref_slice %arg8[%dma_wait3A_174] : memref<2x!tpu.dma_semaphore, #tpu.memory_space<semaphore_mem>> -> memref<1x!tpu.dma_semaphore, #tpu.memory_space<semaphore_mem>>
      %dma_wait3A_182 = tpu.memref_squeeze %dma_wait3A_181 : memref<1x!tpu.dma_semaphore, #tpu.memory_space<semaphore_mem>> -> memref<!tpu.dma_semaphore, #tpu.memory_space<semaphore_mem>>
      %dma_wait3A_183 = arith.constant 0 : i32
      %dma_wait3A_184 = tpu.memref_slice %arg4[%mul3A_2, %dma_wait3A_183] : memref<65536x256xf32, #tpu.memory_space<hbm>> -> memref<128x256xf32, #tpu.memory_space<hbm>>
      %dma_wait3A_185 = arith.constant 0 : i32
      %dma_wait3A_186 = arith.constant 0 : i32
      %dma_wait3A_187 = tpu.memref_slice %arg6[%dma_wait3A_173, %dma_wait3A_185, %dma_wait3A_186] : memref<2x128x256xf32, #tpu.memory_space<vmem>> -> memref<1x128x256xf32, #tpu.memory_space<vmem>>
      %dma_wait3A_188 = tpu.memref_squeeze %dma_wait3A_187 : memref<1x128x256xf32, #tpu.memory_space<vmem>> -> memref<128x256xf32, #tpu.memory_space<vmem>>
      tpu.wait_dma2 semaphore(%dma_wait3A_182 : memref<!tpu.dma_semaphore, #tpu.memory_space<semaphore_mem>>) src(%dma_wait3A_188 : memref<128x256xf32, #tpu.memory_space<vmem>>) dst(%dma_wait3A_184 : memref<128x256xf32, #tpu.memory_space<hbm>>)
      %add3A_189 = arith.constant 2 : i32
      %add3A_190 = arith.addi %add3A_138, %add3A_189 : i32
      %dma_start3A_191 = arith.constant 0 : i32
      %dma_start3A_192 = arith.constant 0 : i32
      %dma_start3A_193 = arith.constant 0 : i32
      %dma_start3A_194 = arith.constant 0 : i32
      %dma_start3A_195 = tpu.memref_slice %arg6[%dma_start3A_191, %dma_start3A_193, %dma_start3A_194] : memref<2x128x256xf32, #tpu.memory_space<vmem>> -> memref<1x128x256xf32, #tpu.memory_space<vmem>>
      %dma_start3A_196 = tpu.memref_squeeze %dma_start3A_195 : memref<1x128x256xf32, #tpu.memory_space<vmem>> -> memref<128x256xf32, #tpu.memory_space<vmem>>
      %dma_start3A_197 = arith.constant 0 : i32
      %dma_start3A_198 = tpu.memref_slice %arg5[%add3A_190, %dma_start3A_197] : memref<16x128xi32, #tpu.memory_space<vmem>> -> memref<1x128xi32, #tpu.memory_space<vmem>>
      %dma_start3A_199 = tpu.memref_squeeze %dma_start3A_198 : memref<1x128xi32, #tpu.memory_space<vmem>> -> memref<128xi32, #tpu.memory_space<vmem>>
      %dma_start3A_200 = arith.constant 0 : i32
      %dma_start3A_201 = arith.constant 0 : i32
      %dma_start3A_202 = tpu.memref_slice %arg3[%dma_start3A_200, %dma_start3A_201] : memref<8192x256xf32, #tpu.memory_space<hbm>> -> memref<8192x256xf32, #tpu.memory_space<hbm>>
      %dma_start3A_203 = tpu.memref_slice %arg7[%dma_start3A_192] : memref<2x!tpu.dma_semaphore, #tpu.memory_space<semaphore_mem>> -> memref<1x!tpu.dma_semaphore, #tpu.memory_space<semaphore_mem>>
      %dma_start3A_204 = tpu.memref_squeeze %dma_start3A_203 : memref<1x!tpu.dma_semaphore, #tpu.memory_space<semaphore_mem>> -> memref<!tpu.dma_semaphore, #tpu.memory_space<semaphore_mem>>
      tpu.enqueue_indirect_dma source(%dma_start3A_202 : memref<8192x256xf32, #tpu.memory_space<hbm>>) target(%dma_start3A_196 : memref<128x256xf32, #tpu.memory_space<vmem>>) offsets(%dma_start3A_199 : memref<128xi32, #tpu.memory_space<vmem>>) semaphore(%dma_start3A_204 : memref<!tpu.dma_semaphore, #tpu.memory_space<semaphore_mem>>)
      %add3A_205 = arith.constant 1 : i32
      %add3A_206 = arith.addi %mul3A_136, %add3A_205 : i32
      %dma_wait3A_207 = arith.constant 0 : i32
      %dma_wait3A_208 = arith.constant 1 : i32
      %dma_wait3A_209 = arith.constant 1 : i32
      %dma_wait3A_210 = arith.constant 0 : i32
      %dma_wait3A_211 = arith.constant 0 : i32
      %dma_wait3A_212 = tpu.memref_slice %arg6[%dma_wait3A_208, %dma_wait3A_210, %dma_wait3A_211] : memref<2x128x256xf32, #tpu.memory_space<vmem>> -> memref<1x128x256xf32, #tpu.memory_space<vmem>>
      %dma_wait3A_213 = tpu.memref_squeeze %dma_wait3A_212 : memref<1x128x256xf32, #tpu.memory_space<vmem>> -> memref<128x256xf32, #tpu.memory_space<vmem>>
      %dma_wait3A_214 = arith.constant 0 : i32
      %dma_wait3A_215 = tpu.memref_slice %arg5[%dma_wait3A_207, %dma_wait3A_214] : memref<16x128xi32, #tpu.memory_space<vmem>> -> memref<1x128xi32, #tpu.memory_space<vmem>>
      %dma_wait3A_216 = tpu.memref_squeeze %dma_wait3A_215 : memref<1x128xi32, #tpu.memory_space<vmem>> -> memref<128xi32, #tpu.memory_space<vmem>>
      %dma_wait3A_217 = arith.constant 0 : i32
      %dma_wait3A_218 = arith.constant 0 : i32
      %dma_wait3A_219 = tpu.memref_slice %arg3[%dma_wait3A_217, %dma_wait3A_218] : memref<8192x256xf32, #tpu.memory_space<hbm>> -> memref<8192x256xf32, #tpu.memory_space<hbm>>
      %dma_wait3A_220 = tpu.memref_slice %arg7[%dma_wait3A_209] : memref<2x!tpu.dma_semaphore, #tpu.memory_space<semaphore_mem>> -> memref<1x!tpu.dma_semaphore, #tpu.memory_space<semaphore_mem>>
      %dma_wait3A_221 = tpu.memref_squeeze %dma_wait3A_220 : memref<1x!tpu.dma_semaphore, #tpu.memory_space<semaphore_mem>> -> memref<!tpu.dma_semaphore, #tpu.memory_space<semaphore_mem>>
      tpu.wait_indirect_dma semaphore(%dma_wait3A_221 : memref<!tpu.dma_semaphore, #tpu.memory_space<semaphore_mem>>) src(%dma_wait3A_219 : memref<8192x256xf32, #tpu.memory_space<hbm>>) dst(%dma_wait3A_213 : memref<128x256xf32, #tpu.memory_space<vmem>>)
      %mul3A_222 = arith.constant 128 : i32
      %mul3A_223 = arith.muli %add3A_206, %mul3A_222 : i32
      %add3A_224 = arith.addi %mul3A_2, %mul3A_223 : i32
      %dma_start3A_225 = arith.constant 1 : i32
      %dma_start3A_226 = arith.constant 1 : i32
      %dma_start3A_227 = arith.constant 0 : i32
      %dma_start3A_228 = arith.constant 0 : i32
      %dma_start3A_229 = tpu.memref_slice %arg6[%dma_start3A_225, %dma_start3A_227, %dma_start3A_228] : memref<2x128x256xf32, #tpu.memory_space<vmem>> -> memref<1x128x256xf32, #tpu.memory_space<vmem>>
      %dma_start3A_230 = tpu.memref_squeeze %dma_start3A_229 : memref<1x128x256xf32, #tpu.memory_space<vmem>> -> memref<128x256xf32, #tpu.memory_space<vmem>>
      %dma_start3A_231 = arith.constant 0 : i32
      %dma_start3A_232 = tpu.memref_slice %arg4[%add3A_224, %dma_start3A_231] : memref<65536x256xf32, #tpu.memory_space<hbm>> -> memref<128x256xf32, #tpu.memory_space<hbm>>
      %dma_start3A_233 = tpu.memref_slice %arg8[%dma_start3A_226] : memref<2x!tpu.dma_semaphore, #tpu.memory_space<semaphore_mem>> -> memref<1x!tpu.dma_semaphore, #tpu.memory_space<semaphore_mem>>
      %dma_start3A_234 = tpu.memref_squeeze %dma_start3A_233 : memref<1x!tpu.dma_semaphore, #tpu.memory_space<semaphore_mem>> -> memref<!tpu.dma_semaphore, #tpu.memory_space<semaphore_mem>>
      %dma_start3A_235 = arith.constant 0 : i32
      %dma_start3A_236 = tpu.memref_slice %arg4[%add3A_224, %dma_start3A_235] : memref<65536x256xf32, #tpu.memory_space<hbm>> -> memref<128x256xf32, #tpu.memory_space<hbm>>
      %dma_start3A_237 = arith.constant 0 : i32
      %dma_start3A_238 = arith.constant 0 : i32
      %dma_start3A_239 = tpu.memref_slice %arg6[%dma_start3A_225, %dma_start3A_237, %dma_start3A_238] : memref<2x128x256xf32, #tpu.memory_space<vmem>> -> memref<1x128x256xf32, #tpu.memory_space<vmem>>
      %dma_start3A_240 = tpu.memref_squeeze %dma_start3A_239 : memref<1x128x256xf32, #tpu.memory_space<vmem>> -> memref<128x256xf32, #tpu.memory_space<vmem>>
      tpu.enqueue_dma source(%dma_start3A_240 : memref<128x256xf32, #tpu.memory_space<vmem>>) target(%dma_start3A_236 : memref<128x256xf32, #tpu.memory_space<hbm>>) target_semaphore(%dma_start3A_234 : memref<!tpu.dma_semaphore, #tpu.memory_space<semaphore_mem>>)
      %dma_wait3A_241 = arith.constant 1 : i32
      %dma_wait3A_242 = arith.constant 1 : i32
      %dma_wait3A_243 = arith.constant 0 : i32
      %dma_wait3A_244 = arith.constant 0 : i32
      %dma_wait3A_245 = tpu.memref_slice %arg6[%dma_wait3A_241, %dma_wait3A_243, %dma_wait3A_244] : memref<2x128x256xf32, #tpu.memory_space<vmem>> -> memref<1x128x256xf32, #tpu.memory_space<vmem>>
      %dma_wait3A_246 = tpu.memref_squeeze %dma_wait3A_245 : memref<1x128x256xf32, #tpu.memory_space<vmem>> -> memref<128x256xf32, #tpu.memory_space<vmem>>
      %dma_wait3A_247 = arith.constant 0 : i32
      %dma_wait3A_248 = tpu.memref_slice %arg4[%mul3A_2, %dma_wait3A_247] : memref<65536x256xf32, #tpu.memory_space<hbm>> -> memref<128x256xf32, #tpu.memory_space<hbm>>
      %dma_wait3A_249 = tpu.memref_slice %arg8[%dma_wait3A_242] : memref<2x!tpu.dma_semaphore, #tpu.memory_space<semaphore_mem>> -> memref<1x!tpu.dma_semaphore, #tpu.memory_space<semaphore_mem>>
      %dma_wait3A_250 = tpu.memref_squeeze %dma_wait3A_249 : memref<1x!tpu.dma_semaphore, #tpu.memory_space<semaphore_mem>> -> memref<!tpu.dma_semaphore, #tpu.memory_space<semaphore_mem>>
      %dma_wait3A_251 = arith.constant 0 : i32
      %dma_wait3A_252 = tpu.memref_slice %arg4[%mul3A_2, %dma_wait3A_251] : memref<65536x256xf32, #tpu.memory_space<hbm>> -> memref<128x256xf32, #tpu.memory_space<hbm>>
      %dma_wait3A_253 = arith.constant 0 : i32
      %dma_wait3A_254 = arith.constant 0 : i32
      %dma_wait3A_255 = tpu.memref_slice %arg6[%dma_wait3A_241, %dma_wait3A_253, %dma_wait3A_254] : memref<2x128x256xf32, #tpu.memory_space<vmem>> -> memref<1x128x256xf32, #tpu.memory_space<vmem>>
      %dma_wait3A_256 = tpu.memref_squeeze %dma_wait3A_255 : memref<1x128x256xf32, #tpu.memory_space<vmem>> -> memref<128x256xf32, #tpu.memory_space<vmem>>
      tpu.wait_dma2 semaphore(%dma_wait3A_250 : memref<!tpu.dma_semaphore, #tpu.memory_space<semaphore_mem>>) src(%dma_wait3A_256 : memref<128x256xf32, #tpu.memory_space<vmem>>) dst(%dma_wait3A_252 : memref<128x256xf32, #tpu.memory_space<hbm>>)
      %add3A_257 = arith.constant 2 : i32
      %add3A_258 = arith.addi %add3A_206, %add3A_257 : i32
      %dma_start3A_259 = arith.constant 1 : i32
      %dma_start3A_260 = arith.constant 1 : i32
      %dma_start3A_261 = arith.constant 0 : i32
      %dma_start3A_262 = arith.constant 0 : i32
      %dma_start3A_263 = tpu.memref_slice %arg6[%dma_start3A_259, %dma_start3A_261, %dma_start3A_262] : memref<2x128x256xf32, #tpu.memory_space<vmem>> -> memref<1x128x256xf32, #tpu.memory_space<vmem>>
      %dma_start3A_264 = tpu.memref_squeeze %dma_start3A_263 : memref<1x128x256xf32, #tpu.memory_space<vmem>> -> memref<128x256xf32, #tpu.memory_space<vmem>>
      %dma_start3A_265 = arith.constant 0 : i32
      %dma_start3A_266 = tpu.memref_slice %arg5[%add3A_258, %dma_start3A_265] : memref<16x128xi32, #tpu.memory_space<vmem>> -> memref<1x128xi32, #tpu.memory_space<vmem>>
      %dma_start3A_267 = tpu.memref_squeeze %dma_start3A_266 : memref<1x128xi32, #tpu.memory_space<vmem>> -> memref<128xi32, #tpu.memory_space<vmem>>
      %dma_start3A_268 = arith.constant 0 : i32
      %dma_start3A_269 = arith.constant 0 : i32
      %dma_start3A_270 = tpu.memref_slice %arg3[%dma_start3A_268, %dma_start3A_269] : memref<8192x256xf32, #tpu.memory_space<hbm>> -> memref<8192x256xf32, #tpu.memory_space<hbm>>
      %dma_start3A_271 = tpu.memref_slice %arg7[%dma_start3A_260] : memref<2x!tpu.dma_semaphore, #tpu.memory_space<semaphore_mem>> -> memref<1x!tpu.dma_semaphore, #tpu.memory_space<semaphore_mem>>
      %dma_start3A_272 = tpu.memref_squeeze %dma_start3A_271 : memref<1x!tpu.dma_semaphore, #tpu.memory_space<semaphore_mem>> -> memref<!tpu.dma_semaphore, #tpu.memory_space<semaphore_mem>>
      tpu.enqueue_indirect_dma source(%dma_start3A_270 : memref<8192x256xf32, #tpu.memory_space<hbm>>) target(%dma_start3A_264 : memref<128x256xf32, #tpu.memory_space<vmem>>) offsets(%dma_start3A_267 : memref<128xi32, #tpu.memory_space<vmem>>) semaphore(%dma_start3A_272 : memref<!tpu.dma_semaphore, #tpu.memory_space<semaphore_mem>>)
    }
    %scan3A_36 = arith.constant 7 : i32
    %dma_wait3A = arith.constant 0 : i32
    %dma_wait3A_37 = arith.constant 0 : i32
    %dma_wait3A_38 = arith.constant 0 : i32
    %dma_wait3A_39 = arith.constant 0 : i32
    %dma_wait3A_40 = arith.constant 0 : i32
    %dma_wait3A_41 = tpu.memref_slice %arg6[%dma_wait3A_37, %dma_wait3A_39, %dma_wait3A_40] : memref<2x128x256xf32, #tpu.memory_space<vmem>> -> memref<1x128x256xf32, #tpu.memory_space<vmem>>
    %dma_wait3A_42 = tpu.memref_squeeze %dma_wait3A_41 : memref<1x128x256xf32, #tpu.memory_space<vmem>> -> memref<128x256xf32, #tpu.memory_space<vmem>>
    %dma_wait3A_43 = arith.constant 0 : i32
    %dma_wait3A_44 = tpu.memref_slice %arg5[%dma_wait3A, %dma_wait3A_43] : memref<16x128xi32, #tpu.memory_space<vmem>> -> memref<1x128xi32, #tpu.memory_space<vmem>>
    %dma_wait3A_45 = tpu.memref_squeeze %dma_wait3A_44 : memref<1x128xi32, #tpu.memory_space<vmem>> -> memref<128xi32, #tpu.memory_space<vmem>>
    %dma_wait3A_46 = arith.constant 0 : i32
    %dma_wait3A_47 = arith.constant 0 : i32
    %dma_wait3A_48 = tpu.memref_slice %arg3[%dma_wait3A_46, %dma_wait3A_47] : memref<8192x256xf32, #tpu.memory_space<hbm>> -> memref<8192x256xf32, #tpu.memory_space<hbm>>
    %dma_wait3A_49 = tpu.memref_slice %arg7[%dma_wait3A_38] : memref<2x!tpu.dma_semaphore, #tpu.memory_space<semaphore_mem>> -> memref<1x!tpu.dma_semaphore, #tpu.memory_space<semaphore_mem>>
    %dma_wait3A_50 = tpu.memref_squeeze %dma_wait3A_49 : memref<1x!tpu.dma_semaphore, #tpu.memory_space<semaphore_mem>> -> memref<!tpu.dma_semaphore, #tpu.memory_space<semaphore_mem>>
    tpu.wait_indirect_dma semaphore(%dma_wait3A_50 : memref<!tpu.dma_semaphore, #tpu.memory_space<semaphore_mem>>) src(%dma_wait3A_48 : memref<8192x256xf32, #tpu.memory_space<hbm>>) dst(%dma_wait3A_42 : memref<128x256xf32, #tpu.memory_space<vmem>>)
    %add3A_51 = arith.constant 1792 : i32
    %add3A_52 = arith.addi %mul3A_2, %add3A_51 : i32
    %dma_start3A_53 = arith.constant 0 : i32
    %dma_start3A_54 = arith.constant 0 : i32
    %dma_start3A_55 = arith.constant 0 : i32
    %dma_start3A_56 = arith.constant 0 : i32
    %dma_start3A_57 = tpu.memref_slice %arg6[%dma_start3A_53, %dma_start3A_55, %dma_start3A_56] : memref<2x128x256xf32, #tpu.memory_space<vmem>> -> memref<1x128x256xf32, #tpu.memory_space<vmem>>
    %dma_start3A_58 = tpu.memref_squeeze %dma_start3A_57 : memref<1x128x256xf32, #tpu.memory_space<vmem>> -> memref<128x256xf32, #tpu.memory_space<vmem>>
    %dma_start3A_59 = arith.constant 0 : i32
    %dma_start3A_60 = tpu.memref_slice %arg4[%add3A_52, %dma_start3A_59] : memref<65536x256xf32, #tpu.memory_space<hbm>> -> memref<128x256xf32, #tpu.memory_space<hbm>>
    %dma_start3A_61 = tpu.memref_slice %arg8[%dma_start3A_54] : memref<2x!tpu.dma_semaphore, #tpu.memory_space<semaphore_mem>> -> memref<1x!tpu.dma_semaphore, #tpu.memory_space<semaphore_mem>>
    %dma_start3A_62 = tpu.memref_squeeze %dma_start3A_61 : memref<1x!tpu.dma_semaphore, #tpu.memory_space<semaphore_mem>> -> memref<!tpu.dma_semaphore, #tpu.memory_space<semaphore_mem>>
    %dma_start3A_63 = arith.constant 0 : i32
    %dma_start3A_64 = tpu.memref_slice %arg4[%add3A_52, %dma_start3A_63] : memref<65536x256xf32, #tpu.memory_space<hbm>> -> memref<128x256xf32, #tpu.memory_space<hbm>>
    %dma_start3A_65 = arith.constant 0 : i32
    %dma_start3A_66 = arith.constant 0 : i32
    %dma_start3A_67 = tpu.memref_slice %arg6[%dma_start3A_53, %dma_start3A_65, %dma_start3A_66] : memref<2x128x256xf32, #tpu.memory_space<vmem>> -> memref<1x128x256xf32, #tpu.memory_space<vmem>>
    %dma_start3A_68 = tpu.memref_squeeze %dma_start3A_67 : memref<1x128x256xf32, #tpu.memory_space<vmem>> -> memref<128x256xf32, #tpu.memory_space<vmem>>
    tpu.enqueue_dma source(%dma_start3A_68 : memref<128x256xf32, #tpu.memory_space<vmem>>) target(%dma_start3A_64 : memref<128x256xf32, #tpu.memory_space<hbm>>) target_semaphore(%dma_start3A_62 : memref<!tpu.dma_semaphore, #tpu.memory_space<semaphore_mem>>)
    %dma_wait3A_69 = arith.constant 0 : i32
    %dma_wait3A_70 = arith.constant 0 : i32
    %dma_wait3A_71 = arith.constant 0 : i32
    %dma_wait3A_72 = arith.constant 0 : i32
    %dma_wait3A_73 = tpu.memref_slice %arg6[%dma_wait3A_69, %dma_wait3A_71, %dma_wait3A_72] : memref<2x128x256xf32, #tpu.memory_space<vmem>> -> memref<1x128x256xf32, #tpu.memory_space<vmem>>
    %dma_wait3A_74 = tpu.memref_squeeze %dma_wait3A_73 : memref<1x128x256xf32, #tpu.memory_space<vmem>> -> memref<128x256xf32, #tpu.memory_space<vmem>>
    %dma_wait3A_75 = arith.constant 0 : i32
    %dma_wait3A_76 = tpu.memref_slice %arg4[%mul3A_2, %dma_wait3A_75] : memref<65536x256xf32, #tpu.memory_space<hbm>> -> memref<128x256xf32, #tpu.memory_space<hbm>>
    %dma_wait3A_77 = tpu.memref_slice %arg8[%dma_wait3A_70] : memref<2x!tpu.dma_semaphore, #tpu.memory_space<semaphore_mem>> -> memref<1x!tpu.dma_semaphore, #tpu.memory_space<semaphore_mem>>
    %dma_wait3A_78 = tpu.memref_squeeze %dma_wait3A_77 : memref<1x!tpu.dma_semaphore, #tpu.memory_space<semaphore_mem>> -> memref<!tpu.dma_semaphore, #tpu.memory_space<semaphore_mem>>
    %dma_wait3A_79 = arith.constant 0 : i32
    %dma_wait3A_80 = tpu.memref_slice %arg4[%mul3A_2, %dma_wait3A_79] : memref<65536x256xf32, #tpu.memory_space<hbm>> -> memref<128x256xf32, #tpu.memory_space<hbm>>
    %dma_wait3A_81 = arith.constant 0 : i32
    %dma_wait3A_82 = arith.constant 0 : i32
    %dma_wait3A_83 = tpu.memref_slice %arg6[%dma_wait3A_69, %dma_wait3A_81, %dma_wait3A_82] : memref<2x128x256xf32, #tpu.memory_space<vmem>> -> memref<1x128x256xf32, #tpu.memory_space<vmem>>
    %dma_wait3A_84 = tpu.memref_squeeze %dma_wait3A_83 : memref<1x128x256xf32, #tpu.memory_space<vmem>> -> memref<128x256xf32, #tpu.memory_space<vmem>>
    tpu.wait_dma2 semaphore(%dma_wait3A_78 : memref<!tpu.dma_semaphore, #tpu.memory_space<semaphore_mem>>) src(%dma_wait3A_84 : memref<128x256xf32, #tpu.memory_space<vmem>>) dst(%dma_wait3A_80 : memref<128x256xf32, #tpu.memory_space<hbm>>)
    %dma_wait3A_85 = arith.constant 0 : i32
    %dma_wait3A_86 = arith.constant 1 : i32
    %dma_wait3A_87 = arith.constant 1 : i32
    %dma_wait3A_88 = arith.constant 0 : i32
    %dma_wait3A_89 = arith.constant 0 : i32
    %dma_wait3A_90 = tpu.memref_slice %arg6[%dma_wait3A_86, %dma_wait3A_88, %dma_wait3A_89] : memref<2x128x256xf32, #tpu.memory_space<vmem>> -> memref<1x128x256xf32, #tpu.memory_space<vmem>>
    %dma_wait3A_91 = tpu.memref_squeeze %dma_wait3A_90 : memref<1x128x256xf32, #tpu.memory_space<vmem>> -> memref<128x256xf32, #tpu.memory_space<vmem>>
    %dma_wait3A_92 = arith.constant 0 : i32
    %dma_wait3A_93 = tpu.memref_slice %arg5[%dma_wait3A_85, %dma_wait3A_92] : memref<16x128xi32, #tpu.memory_space<vmem>> -> memref<1x128xi32, #tpu.memory_space<vmem>>
    %dma_wait3A_94 = tpu.memref_squeeze %dma_wait3A_93 : memref<1x128xi32, #tpu.memory_space<vmem>> -> memref<128xi32, #tpu.memory_space<vmem>>
    %dma_wait3A_95 = arith.constant 0 : i32
    %dma_wait3A_96 = arith.constant 0 : i32
    %dma_wait3A_97 = tpu.memref_slice %arg3[%dma_wait3A_95, %dma_wait3A_96] : memref<8192x256xf32, #tpu.memory_space<hbm>> -> memref<8192x256xf32, #tpu.memory_space<hbm>>
    %dma_wait3A_98 = tpu.memref_slice %arg7[%dma_wait3A_87] : memref<2x!tpu.dma_semaphore, #tpu.memory_space<semaphore_mem>> -> memref<1x!tpu.dma_semaphore, #tpu.memory_space<semaphore_mem>>
    %dma_wait3A_99 = tpu.memref_squeeze %dma_wait3A_98 : memref<1x!tpu.dma_semaphore, #tpu.memory_space<semaphore_mem>> -> memref<!tpu.dma_semaphore, #tpu.memory_space<semaphore_mem>>
    tpu.wait_indirect_dma semaphore(%dma_wait3A_99 : memref<!tpu.dma_semaphore, #tpu.memory_space<semaphore_mem>>) src(%dma_wait3A_97 : memref<8192x256xf32, #tpu.memory_space<hbm>>) dst(%dma_wait3A_91 : memref<128x256xf32, #tpu.memory_space<vmem>>)
    %add3A_100 = arith.constant 1920 : i32
    %add3A_101 = arith.addi %mul3A_2, %add3A_100 : i32
    %dma_start3A_102 = arith.constant 1 : i32
    %dma_start3A_103 = arith.constant 1 : i32
    %dma_start3A_104 = arith.constant 0 : i32
    %dma_start3A_105 = arith.constant 0 : i32
    %dma_start3A_106 = tpu.memref_slice %arg6[%dma_start3A_102, %dma_start3A_104, %dma_start3A_105] : memref<2x128x256xf32, #tpu.memory_space<vmem>> -> memref<1x128x256xf32, #tpu.memory_space<vmem>>
    %dma_start3A_107 = tpu.memref_squeeze %dma_start3A_106 : memref<1x128x256xf32, #tpu.memory_space<vmem>> -> memref<128x256xf32, #tpu.memory_space<vmem>>
    %dma_start3A_108 = arith.constant 0 : i32
    %dma_start3A_109 = tpu.memref_slice %arg4[%add3A_101, %dma_start3A_108] : memref<65536x256xf32, #tpu.memory_space<hbm>> -> memref<128x256xf32, #tpu.memory_space<hbm>>
    %dma_start3A_110 = tpu.memref_slice %arg8[%dma_start3A_103] : memref<2x!tpu.dma_semaphore, #tpu.memory_space<semaphore_mem>> -> memref<1x!tpu.dma_semaphore, #tpu.memory_space<semaphore_mem>>
    %dma_start3A_111 = tpu.memref_squeeze %dma_start3A_110 : memref<1x!tpu.dma_semaphore, #tpu.memory_space<semaphore_mem>> -> memref<!tpu.dma_semaphore, #tpu.memory_space<semaphore_mem>>
    %dma_start3A_112 = arith.constant 0 : i32
    %dma_start3A_113 = tpu.memref_slice %arg4[%add3A_101, %dma_start3A_112] : memref<65536x256xf32, #tpu.memory_space<hbm>> -> memref<128x256xf32, #tpu.memory_space<hbm>>
    %dma_start3A_114 = arith.constant 0 : i32
    %dma_start3A_115 = arith.constant 0 : i32
    %dma_start3A_116 = tpu.memref_slice %arg6[%dma_start3A_102, %dma_start3A_114, %dma_start3A_115] : memref<2x128x256xf32, #tpu.memory_space<vmem>> -> memref<1x128x256xf32, #tpu.memory_space<vmem>>
    %dma_start3A_117 = tpu.memref_squeeze %dma_start3A_116 : memref<1x128x256xf32, #tpu.memory_space<vmem>> -> memref<128x256xf32, #tpu.memory_space<vmem>>
    tpu.enqueue_dma source(%dma_start3A_117 : memref<128x256xf32, #tpu.memory_space<vmem>>) target(%dma_start3A_113 : memref<128x256xf32, #tpu.memory_space<hbm>>) target_semaphore(%dma_start3A_111 : memref<!tpu.dma_semaphore, #tpu.memory_space<semaphore_mem>>)
    %dma_wait3A_118 = arith.constant 1 : i32
    %dma_wait3A_119 = arith.constant 1 : i32
    %dma_wait3A_120 = arith.constant 0 : i32
    %dma_wait3A_121 = arith.constant 0 : i32
    %dma_wait3A_122 = tpu.memref_slice %arg6[%dma_wait3A_118, %dma_wait3A_120, %dma_wait3A_121] : memref<2x128x256xf32, #tpu.memory_space<vmem>> -> memref<1x128x256xf32, #tpu.memory_space<vmem>>
    %dma_wait3A_123 = tpu.memref_squeeze %dma_wait3A_122 : memref<1x128x256xf32, #tpu.memory_space<vmem>> -> memref<128x256xf32, #tpu.memory_space<vmem>>
    %dma_wait3A_124 = arith.constant 0 : i32
    %dma_wait3A_125 = tpu.memref_slice %arg4[%mul3A_2, %dma_wait3A_124] : memref<65536x256xf32, #tpu.memory_space<hbm>> -> memref<128x256xf32, #tpu.memory_space<hbm>>
    %dma_wait3A_126 = tpu.memref_slice %arg8[%dma_wait3A_119] : memref<2x!tpu.dma_semaphore, #tpu.memory_space<semaphore_mem>> -> memref<1x!tpu.dma_semaphore, #tpu.memory_space<semaphore_mem>>
    %dma_wait3A_127 = tpu.memref_squeeze %dma_wait3A_126 : memref<1x!tpu.dma_semaphore, #tpu.memory_space<semaphore_mem>> -> memref<!tpu.dma_semaphore, #tpu.memory_space<semaphore_mem>>
    %dma_wait3A_128 = arith.constant 0 : i32
    %dma_wait3A_129 = tpu.memref_slice %arg4[%mul3A_2, %dma_wait3A_128] : memref<65536x256xf32, #tpu.memory_space<hbm>> -> memref<128x256xf32, #tpu.memory_space<hbm>>
    %dma_wait3A_130 = arith.constant 0 : i32
    %dma_wait3A_131 = arith.constant 0 : i32
    %dma_wait3A_132 = tpu.memref_slice %arg6[%dma_wait3A_118, %dma_wait3A_130, %dma_wait3A_131] : memref<2x128x256xf32, #tpu.memory_space<vmem>> -> memref<1x128x256xf32, #tpu.memory_space<vmem>>
    %dma_wait3A_133 = tpu.memref_squeeze %dma_wait3A_132 : memref<1x128x256xf32, #tpu.memory_space<vmem>> -> memref<128x256xf32, #tpu.memory_space<vmem>>
    tpu.wait_dma2 semaphore(%dma_wait3A_127 : memref<!tpu.dma_semaphore, #tpu.memory_space<semaphore_mem>>) src(%dma_wait3A_133 : memref<128x256xf32, #tpu.memory_space<vmem>>) dst(%dma_wait3A_129 : memref<128x256xf32, #tpu.memory_space<hbm>>)
    return
  }
}

</mosaic_0001>

<sc_bundles>
// kernel: kernel.3.cloned.1.call-start
scs
__scs_entry_jumppad:
0x0: {  	(pc) =	sbr.rel $0x88, $3  }
0x1: {  	(tag) =	ssettag $0x0;
	lr =	simm.s32 $0x1  }
0x2: {  	[smem:$0x3F9F] =	sst lr;
	_ =	strace $0xD0000000  }
0x3: {  	_ = 	snop  }
0x4: {  	_ = 	snop  }
0x5: {  	_ = 	snop  }
0x6: {  	_ = 	snop  }
0x7: {  	_ = 	snop  }
__scs_overlays_trampoline_lowered:
0x8: {  	[smem:$0x3FAE] =	sst s0  }
0x9: {  	[smem:$0x3FAF] =	sst s1  }
0xa: {  	[smem:$0x3FB0] =	sst s2  }
0xb: {  	[smem:$0x3FB1] =	sst s3  }
0xc: {  	[smem:$0x3FB2] =	sst s4  }
0xd: {  	[smem:$0x3FB3] =	sst s5  }
0xe: {  	[smem:$0x3FB4] =	sst s6  }
0xf: {  	[smem:$0x3FB5] =	sst s7  }
0x10: {  	[smem:$0x3FB6] =	sst s8  }
0x11: {  	[smem:$0x3FB7] =	sst s9;
	s0 =	simm.s32 @!p0 $0x0  }
0x12: {  	s1 =	sld [smem:$0x3F9D];
	s0 =	simm.s32 @p0 $0x1  }
0x13: {  	[smem:$0x3FB8] =	sst s0;
	s0 =	simm.s32 @!p1 $0x0  }
0x14: {  	s2 =	sld [smem:$0x3F9C];
	s0 =	simm.s32 @p1 $0x1  }
0x15: {  	[smem:$0x3FB9] =	sst s0;
	s0 =	simm.s32 @!p2 $0x0  }
0x16: {  	s3 =	sld [smem:$0x3FDB];
	s0 =	simm.s32 @p2 $0x1  }
0x17: {  	s4 =	simm.s32 $0x1BF5;
	[smem:$0x3FBB] =	sst s0  }
0x18: {  	s0 =	sld [smem:$0x3F9E];
	_ =	swait.ge [sflag:s4], $0x0  }
0x19: {  	s7 =	sld [smem:$0x3F9F]  }
0x1a: {  	s8 =	sadd.s32 $0xFFFFE003, lr  }
0x1b: {  	s9 =	sadd.s32 $0xFFFFFEF7, lr;
	s5 =	simm.s32 $0xFFFFFFFF;
	p2 =	slt.u32 s8, $0xFFFFF086  }
0x1c: {  	p1 =	slt.u32 s9, $0xF7A;
	s5 =	simm.s32 @!p2 $0x0  }
0x1d: {  	s5 =	simm.s32 @p1 $0x1;
	p0 =	seq.s32 s7, s2  }
0x1e: {  	s7 =	smul.u32 @!p0 $0xF7A, s2;
	p2 =	seq.s32 @!p0 s5, $0x0  }
0x1f: {  	s9 =	smul.u32 $0xF7A, s1;
	s8 =	simm.s32 @!p0 $0x1BF5;
	p2 =	por !p2, p0  }
0x20: {  	[sflag:s8] =	ssyncset.s32 @!p0 $0xFFFFF086;
	s6 =	sadd.s32 @!p0 s3, s7;
	s7 =	simm.s32 @!p0 $0x108  }
0x21: {  	s3 =	sadd.s32 s3, s9;
	s6 =	sadd.s32 @!p0 $0x88, s6;
	s7 =	simm.s32 @p2 $0x1082  }
0x22: {  	[simem:s7], [sflag:s8] =	dma.local @!p0 [hbm:s6], $0xF7A  }
0x23: {  	s9 =	sor.u32 $0xD0000000, s2;
	s6 =	simm.s32 $0x108;
	_ =	swait.ge @!p0 [sflag:s8], $0x0  }
0x24: {  	s3 =	sadd.s32 $0x88, s3;
	s6 =	simm.s32 @!p1 $0x1082;
	[sflag:s4] =	ssyncset.s32 $0xFFFFF086  }
0x25: {  	[simem:s6], [sflag:s4] =	dma.local [hbm:s3], $0xF7A  }
0x26: {  	[smem:$0x3F9F] =	sst s1;
	(tag) =	ssettag s2;
	_ =	strace s9  }
0x27: {  	s1 =	sld [smem:$0x3FAF]  }
0x28: {  	s2 =	sld [smem:$0x3FB0]  }
0x29: {  	s4 =	sld [smem:$0x3FB2]  }
0x2a: {  	p0 =	seq.s32 s5, $0x0;
	s5 =	sld [smem:$0x3FB3]  }
0x2b: {  	s6 =	sld [smem:$0x3FB4]  }
0x2c: {  	s7 =	sld [smem:$0x3FB5]  }
0x2d: {  	s3 =	simm.s32 $0x108;
	s8 =	sld [smem:$0x3FB6]  }
0x2e: {  	s3 =	simm.s32 @!p0 $0x1082;
	s9 =	sld [smem:$0x3FB7]  }
0x2f: {  	lr =	sadd.s32 s0, s3;
	s0 =	sld [smem:$0x3FAE]  }
0x30: {  	s3 =	sld [smem:$0x3FB1]  }
0x31: {  	[smem:$0x3FBA] =	sst s10  }
0x32: {  	s10 =	sld [smem:$0x3FB8];
	_ =	sdelay $0x3  }
0x33: {  	p0 =	seq.s32 s10, $0x1;
	s10 =	sld [smem:$0x3FBA];
	_ =	sdelay $0x3  }
0x34: {  	[smem:$0x3FBA] =	sst s10  }
0x35: {  	s10 =	sld [smem:$0x3FB9];
	_ =	sdelay $0x3  }
0x36: {  	p1 =	seq.s32 s10, $0x1;
	s10 =	sld [smem:$0x3FBA];
	_ =	sdelay $0x3  }
0x37: {  	[smem:$0x3FBA] =	sst s10  }
0x38: {  	s10 =	sld [smem:$0x3FBB]  }
0x39: {  	_ = 	snop;
	(pc) =	sbr.ind lr, $3  }
0x3a: {  	_ = 	snop  }
0x3b: {  	_ = 	snop  }
0x3c: {  	p2 =	seq.s32 s10, $0x1;
	s10 =	sld [smem:$0x3FBA]  }
0x3d: {  	_ =	shalt  }
0x3e: {  	_ =	shalt  }
0x3f: {  	_ =	shalt  }
0x40: {  	_ =	shalt  }
0x41: {  	_ =	shalt  }
0x42: {  	_ =	shalt  }
0x43: {  	_ =	shalt  }
0x44: {  	_ =	shalt  }
0x45: {  	_ =	shalt  }
0x46: {  	_ =	shalt  }
0x47: {  	_ =	shalt  }
0x48: {  	_ =	shalt  }
0x49: {  	_ =	shalt  }
0x4a: {  	_ =	shalt  }
0x4b: {  	_ =	shalt  }
0x4c: {  	_ =	shalt  }
0x4d: {  	_ =	shalt  }
0x4e: {  	_ =	shalt  }
0x4f: {  	_ =	shalt  }
0x50: {  	_ =	shalt  }
0x51: {  	_ =	shalt  }
0x52: {  	_ =	shalt  }
0x53: {  	_ =	shalt  }
0x54: {  	_ =	shalt  }
0x55: {  	_ =	shalt  }
0x56: {  	_ =	shalt  }
0x57: {  	_ =	shalt  }
0x58: {  	_ =	shalt  }
0x59: {  	_ =	shalt  }
0x5a: {  	_ =	shalt  }
0x5b: {  	_ =	shalt  }
0x5c: {  	_ =	shalt  }
0x5d: {  	_ =	shalt  }
0x5e: {  	_ =	shalt  }
0x5f: {  	_ =	shalt  }
0x60: {  	_ =	shalt  }
0x61: {  	_ =	shalt  }
0x62: {  	_ =	shalt  }
0x63: {  	_ =	shalt  }
0x64: {  	_ =	shalt  }
0x65: {  	_ =	shalt  }
0x66: {  	_ =	shalt  }
0x67: {  	_ =	shalt  }
0x68: {  	_ =	shalt  }
0x69: {  	_ =	shalt  }
0x6a: {  	_ =	shalt  }
0x6b: {  	_ =	shalt  }
0x6c: {  	_ =	shalt  }
0x6d: {  	_ =	shalt  }
0x6e: {  	_ =	shalt  }
0x6f: {  	_ =	shalt  }
0x70: {  	_ =	shalt  }
0x71: {  	_ =	shalt  }
0x72: {  	_ =	shalt  }
0x73: {  	_ =	shalt  }
0x74: {  	_ =	shalt  }
0x75: {  	_ =	shalt  }
0x76: {  	_ =	shalt  }
0x77: {  	_ =	shalt  }
0x78: {  	_ =	shalt  }
0x79: {  	_ =	shalt  }
0x7a: {  	_ =	shalt  }
0x7b: {  	_ =	shalt  }
0x7c: {  	_ =	shalt  }
0x7d: {  	_ =	shalt  }
0x7e: {  	_ =	shalt  }
0x7f: {  	_ =	shalt  }
0x80: {  	_ =	shalt  }
0x81: {  	_ =	shalt  }
0x82: {  	_ =	shalt  }
0x83: {  	_ =	shalt  }
0x84: {  	_ =	shalt  }
0x85: {  	_ =	shalt  }
0x86: {  	_ =	shalt  }
0x87: {  	_ =	shalt  }
.Lfunc_end0:
.L_simem_size_0:
called_computation_lowered:
.L_overlay_start_0:
0x88: {  	s2 =	sld [smem:$0x3FD9]  }
0x89: {  	s3 =	sld [smem:$0x3FFE];
	_ =	sdelay $0x1  }
0x8a: {  	s1 =	srdreg.scid  }
0x8b: {  	s0 =	sand.u32 $0x1, s1  }
0x8c: {  	s17 =	sshll.u32 s0, $0xA;
	s2 =	sadd.s32 s3, s2  }
0x8d: {  	s2 =	sadd.s32 s2, s17  }
0x8e: {  	[smem:$0x3FC6] =	sst s2  }
0x8f: {  	_ = 	snop  }
0x90: {  	s2 =	sld [smem:$0x3FC8]  }
0x91: {  	s18 =	sld [smem:$0x3FD0];
	(tm) =	ssettm $0x1  }
0x92: {  	s4 =	sld [smem:$0x3FFB];
	_ =	sdelay $0x3  }
0x93: {  	_ =	strace s4  }
0x94: {  	s4 =	sld [smem:$0x3FFC];
	_ =	sdelay $0x3  }
0x95: {  	_ =	strace s4  }
0x96: {  	s4 =	sld [smem:$0x3FFD];
	_ =	sdelay $0x3  }
0x97: {  	_ =	strace s4  }
0x98: {  	_ =	strace $0x8FFFFFFF  }
0x99: {  	s19 =	sld [smem:$0x3FDB];
	_ =	sdelay $0x1  }
0x9a: {  	s5 =	simm.s32 $_scs_section_size  }
0x9b: {  	s6 =	simm.s32 $_size__tile_overlayer_lowered;
	s7 =	simm.s32 $_tile_overlayer_lowered  }
0x9c: {  	s22 =	simm.s32 $0x1BFF;
	s21 =	sshll.u32 s7, $0x1;
	s4 =	sadd.s32 s5, s19  }
0x9d: {  	s8 =	simm.s32 $0x0;
	s20 =	sshll.u32 s6, $0x1;
	s6 =	sadd.s32 s21, s4  }
0x9e: {  	[timem:s8], [sflag:s22] =	dma.local [hbm:s6], s20  }
0x9f: {  	_ =	swait.ge [sflag:s22], s20  }
0xa0: {  	s5 =	ssub.s32 $0x0, s20;
	[sflag:s22] =	ssyncset.done $0x0  }
0xa1: {  	[sflag:s22] =	ssyncadd.s32 s5;
	_ =	sdelay $0x1  }
0xa2: {  	s23 =	simm.s32 $0x1B8B  }
0xa3: {  	_ =	swait.ge [sflag:s23], $0x1  }
0xa4: {  	[sflag:s23] =	ssyncset.done $0x0  }
0xa5: {  	s25 =	simm.s32 $0x1B8E;
	s24 =	sld [smem:$0x3FFE];
	[sflag:s23] =	ssyncadd.s32 $0xFFFFFFFF  }
0xa6: {  	s26 =	simm.s32 $execute0_lowered;
	[smem:$0x3FD2] =	sst s25  }
0xa7: {  	s6 =	sshll.u32 s26, $0x1;
	_ =	strace $0x80000046;
	[dreg:$0x1] =	wrdreg $0xFFFFFFFF  }
0xa8: {  	s28 =	simm.s32 $_size_execute0_lowered;
	s4 =	sadd.s32 s4, s6;
	[dreg:$0x0] =	wrdreg $0x0  }
0xa9: {  	s6 =	sshll.u32 s28, $0x1;
	[dreg:$0x2] =	wrdreg s4  }
0xaa: {  	[dreg:$0x3] =	wrdreg s6  }
0xab: {  	[dreg:$0x4] =	wrdreg $0xC0  }
0xac: {  	_ =	task [dreg:s8], $0x5FFFF  }
0xad: {  	[dreg:$0x1] =	wrdreg $0xFFFFFFFF  }
0xae: {  	[dreg:$0x0] =	wrdreg $0x60  }
0xaf: {  	[dreg:$0x2] =	wrdreg s24  }
0xb0: {  	[dreg:$0x3] =	wrdreg s2  }
0xb1: {  	[dreg:$0x4] =	wrdreg s18  }
0xb2: {  	[dreg:$0x5] =	wrdreg $0x9  }
0xb3: {  	_ =	task.clear_ibuf [dreg:s8], $0x6FFFF;
	_ =	strace $0x90000046  }
0xb4: {  	s29 =	simm.s32 $0x9;
	_ =	strace $0x80000048  }
0xb5: {  	_ =	swait.ge [sflag:s29], $0x1  }
0xb6: {  	[sflag:s29] =	ssyncadd.s32 $0xFFFFFFFF  }
0xb7: {  	_ =	strace $0x90000048  }
0xb8: {  	_ =	sfence  }
0xb9: {  	s30 =	sld [smem:$0x0];
	_ =	sdelay $0x2  }
0xba: {  	s31 =	sshll.u32 s1, $0xD;
	s1 =	sshrl.u32 s1, $0x2  }
0xbb: {  	s3 =	sand.u32 $0x4000, s31;
	s1 =	sadd.s32 s1, s30  }
0xbc: {  	s0 =	sor.u32 s3, s0;
	s1 =	sshll.u32 s1, $0x11  }
0xbd: {  	s0 =	sor.u32 s1, s0  }
0xbe: {  	s0 =	sadd.s32 $0x8F2B, s0  }
0xbf: {  	[sflag:s0] =	ssyncadd.remote.s32 $0x1  }
0xc0: {  	_ =	sfence.sel $0xFFFF  }
0xc1: {  	[dreg:$0x0] =	wrdreg $0xFFFFFFFF;
	(pc) =	sbr.abs _section_cstart, $3  }
0xc2: {  	[dreg:$0x1] =	wrdreg $0xFFFFFFFF  }
0xc3: {  	_ =	task.clear_ibuf [dreg:s8], $0x2FFFF;
	_ =	strace $0x9FFFFFFF  }
0xc4: {  	(tm) =	ssettm $0x7FFFFFFF  }
0xc5: {  	_ =	shalt  }
tec
execute0_lowered:
.L_overlay_start_1:
0x0: {  	(tag) =	ssettag $0x1  }
0x1: {  	s0 =	rddreg [dreg:$0x0]  }
0x2: {  	s2 =	rddreg [dreg:$0x1]  }
0x3: {  	s1 =	rddreg [dreg:$0x2]  }
0x4: {  	s3 =	srdreg.scid;
	s9 =	stileid.u32  }
0x5: {  	s18 =	simm.s32 $0x1000;
	s19 =	simm.s32 $0x1800;
	s20 =	simm.s32 $0x2000  }
0x6: {  	s28 =	simm.s32 $0x5000;
	s29 =	simm.s32 $0x5800;
	s30 =	simm.s32 $0x6000  }
0x7: {  	s10 =	simm.s32 $0xA000;
	s11 =	simm.s32 $0xA800;
	s12 =	simm.s32 $0xB000  }
0x8: {  	s31 =	simm.s32 $0xC000;
	s13 =	simm.s32 $0x1;
	s14 =	simm.s32 $0x3  }
0x9: {  	s15 =	simm.s32 $0x2;
	s16 =	simm.s32 $0x4;
	s17 =	simm.s32 $0x0  }
0xa: {  	s4 =	sand.u32 $0x1, s3;
	s3 =	simm.s32 $0x0;
	s5 =	sshll.u32 s9, $0xC  }
0xb: {  	s23 =	sshll.u32 s9, $0x11;
	s9 =	simm.s32 $0xB800;
	s6 =	sshll.u32 s4, $0xB  }
0xc: {  	[smem:$0x7FF] =	sst s3;
	s21 =	ssub.s32 $0x2, s4;
	s4 =	sshll.u32 s4, $0x10  }
0xd: {  	s5 =	sor.u32 s6, s5;
	_ =	strace $0x80000047;
	s8 =	sshrl.u32 s21, $0x1  }
0xe: {  	[dreg:$0x9] =	wrdreg s17;
	s7 =	sshrl.u32 s5, $0x3;
	s6 =	ssub.s32 s21, s8  }
0xf: {  	s5 =	sshll.u32 s5, $0x5;
	s21 =	simm.s32 $0x2800;
	s8 =	simm.s32 $0x9800  }
0x10: {  	s0 =	sadd.s32 s7, s0;
	s22 =	sadd.s32 s5, s1;
	s1 =	sadd.s32 s23, s1  }
0x11: {  	s25 =	smax.u32 s6, $0x1;
	s23 =	simm.s32 $0x3800;
	s5 =	simm.s32 $0x7800  }
0x12: {  	s6 =	simm.s32 $0x8000;
	s7 =	simm.s32 $0x9000;
	s0 =	sadd.s32 $0x400, s0  }
0x13: {  	s24 =	sadd.s32 $0xE000, s22;
	[dreg:$0x8] =	wrdreg s25;
	s26 =	sadd.s32 s4, s1  }
0x14: {  	s25 =	simm.s32 $0x800;
	s1 =	simm.s32 $0x6800;
	[dreg:$0x5] =	wrdreg s0  }
0x15: {  	v2 =	vlaneseq.u32;
	s4 =	simm.s32 $0x7000;
	[dreg:$0x6] =	wrdreg s24;
	s0 =	sadd.s32 $0xF000, s22  }
0x16: {  	vm0 =	vmmov $0xffff;
	v1 =	vshrl.u32 v2, $0x3;
	[dreg:$0x4] =	wrdreg s26;
	s22 =	simm.s32 $0x3000;
	s24 =	simm.s32 $0x4000  }
0x17: {  	v0 =	vand.u32 $0x7, v2;
	v2 =	vor.u32 $0x8, v2;
	v1 =	vmul.u32 $0x8, v1;
	s26 =	simm.s32 $0x4800;
	[dreg:$0x7] =	wrdreg s0;
	s0 =	simm.s32 $0x8800  }
.LBB2_1:
0x18: {  	s17 =	rddreg [dreg:$0x5]  }
0x19: {  	[tilespmem:s3], [sflag:$0x5] =	stream.linear.gather [hbm4b:s17+s3], $0x800, $0x38;
	[tilespmem:$0x10800] =	vst v63  }
0x1a: {  	s17 =	simm.s32 $0x5  }
0x1b: {  	_ =	swait.ge [sflag:s17], $0x800  }
0x1c: {  	[sflag:s17] =	ssyncset.done $0x0  }
0x1d: {  	[sflag:s17] =	ssyncadd.s32 $0xFFFFF800  }
0x1e: {  	v3 =	vld [tilespmem:$0x0];
	_ =	sdelay $0x4  }
0x1f: {  	v4 =	vshll.u32 v3, $0x1  }
0x20: {  	v3 =	vand.u32 $0x7, v3;
	v4 =	vand.u32 $0xFFFFFFF0, v4  }
0x21: {  	v3 =	vor.u32 v3, v4  }
0x22: {  	v4 =	vperm.xlane v3, v0;
	_ =	sdelay $0x1  }
0x23: {  	v3 =	vperm.xlane v3, v2;
	v4 =	vadd.s32 v1, v4;
	_ =	sdelay $0x1  }
0x24: {  	v3 =	vadd.s32 v1, v3;
	_ =	sdelay $0x2  }
0x25: {  	[tilespmem:s25], [sflag:$0x1] =	stream.indirect_vreg.gather [hbm4b:s2+s3], $0x80, v4, vm0, $0xb8;
	[tilespmem:$0x10800] =	vst v63  }
0x26: {  	_ = 	snop  }
0x27: {  	[tilespmem:s18], [sflag:$0x1] =	stream.indirect_vreg.gather [hbm4b:s2+s3], $0x80, v3, vm0, $0xb8;
	[tilespmem:$0x10800] =	vst v63  }
0x28: {  	v3 =	vld [tilespmem:$0x10];
	_ =	sdelay $0x4  }
0x29: {  	v49 =	vshll.u32 v3, $0x1  }
0x2a: {  	v3 =	vand.u32 $0x7, v3;
	v4 =	vand.u32 $0xFFFFFFF0, v49  }
0x2b: {  	v3 =	vor.u32 v3, v4  }
0x2c: {  	v4 =	vperm.xlane v3, v0;
	_ =	sdelay $0x1  }
0x2d: {  	v3 =	vperm.xlane v3, v2;
	v4 =	vadd.s32 v1, v4;
	_ =	sdelay $0x1  }
0x2e: {  	v3 =	vadd.s32 v1, v3;
	_ =	sdelay $0x2  }
0x2f: {  	[tilespmem:s19], [sflag:$0x1] =	stream.indirect_vreg.gather [hbm4b:s2+s3], $0x80, v4, vm0, $0xb8;
	[tilespmem:$0x10800] =	vst v63  }
0x30: {  	_ = 	snop  }
0x31: {  	[tilespmem:s20], [sflag:$0x1] =	stream.indirect_vreg.gather [hbm4b:s2+s3], $0x80, v3, vm0, $0xb8;
	[tilespmem:$0x10800] =	vst v63  }
0x32: {  	v3 =	vld [tilespmem:$0x20];
	_ =	sdelay $0x4  }
0x33: {  	v50 =	vshll.u32 v3, $0x1  }
0x34: {  	v3 =	vand.u32 $0x7, v3;
	v4 =	vand.u32 $0xFFFFFFF0, v50  }
0x35: {  	v3 =	vor.u32 v3, v4  }
0x36: {  	v4 =	vperm.xlane v3, v0;
	_ =	sdelay $0x1  }
0x37: {  	v3 =	vperm.xlane v3, v2;
	v4 =	vadd.s32 v1, v4;
	_ =	sdelay $0x1  }
0x38: {  	v3 =	vadd.s32 v1, v3;
	_ =	sdelay $0x2  }
0x39: {  	[tilespmem:s21], [sflag:$0x1] =	stream.indirect_vreg.gather [hbm4b:s2+s3], $0x80, v4, vm0, $0xb8;
	[tilespmem:$0x10800] =	vst v63  }
0x3a: {  	_ = 	snop  }
0x3b: {  	[tilespmem:s22], [sflag:$0x1] =	stream.indirect_vreg.gather [hbm4b:s2+s3], $0x80, v3, vm0, $0xb8;
	[tilespmem:$0x10800] =	vst v63  }
0x3c: {  	v3 =	vld [tilespmem:$0x30];
	_ =	sdelay $0x4  }
0x3d: {  	v51 =	vshll.u32 v3, $0x1  }
0x3e: {  	v3 =	vand.u32 $0x7, v3;
	v4 =	vand.u32 $0xFFFFFFF0, v51  }
0x3f: {  	v3 =	vor.u32 v3, v4  }
0x40: {  	v4 =	vperm.xlane v3, v0;
	_ =	sdelay $0x1  }
0x41: {  	v3 =	vperm.xlane v3, v2;
	v4 =	vadd.s32 v1, v4;
	_ =	sdelay $0x1  }
0x42: {  	v3 =	vadd.s32 v1, v3;
	_ =	sdelay $0x2  }
0x43: {  	[tilespmem:s23], [sflag:$0x1] =	stream.indirect_vreg.gather [hbm4b:s2+s3], $0x80, v4, vm0, $0xb8;
	[tilespmem:$0x10800] =	vst v63  }
0x44: {  	_ = 	snop  }
0x45: {  	[tilespmem:s24], [sflag:$0x1] =	stream.indirect_vreg.gather [hbm4b:s2+s3], $0x80, v3, vm0, $0xb8;
	[tilespmem:$0x10800] =	vst v63  }
0x46: {  	v3 =	vld [tilespmem:$0x40];
	_ =	sdelay $0x4  }
0x47: {  	v52 =	vshll.u32 v3, $0x1  }
0x48: {  	v3 =	vand.u32 $0x7, v3;
	v4 =	vand.u32 $0xFFFFFFF0, v52  }
0x49: {  	v3 =	vor.u32 v3, v4  }
0x4a: {  	v4 =	vperm.xlane v3, v0;
	_ =	sdelay $0x1  }
0x4b: {  	v3 =	vperm.xlane v3, v2;
	v4 =	vadd.s32 v1, v4;
	_ =	sdelay $0x1  }
0x4c: {  	v3 =	vadd.s32 v1, v3;
	_ =	sdelay $0x2  }
0x4d: {  	[tilespmem:s26], [sflag:$0x1] =	stream.indirect_vreg.gather [hbm4b:s2+s3], $0x80, v4, vm0, $0xb8;
	[tilespmem:$0x10800] =	vst v63  }
0x4e: {  	_ = 	snop  }
0x4f: {  	[tilespmem:s28], [sflag:$0x1] =	stream.indirect_vreg.gather [hbm4b:s2+s3], $0x80, v3, vm0, $0xb8;
	[tilespmem:$0x10800] =	vst v63  }
0x50: {  	v3 =	vld [tilespmem:$0x50];
	_ =	sdelay $0x4  }
0x51: {  	v53 =	vshll.u32 v3, $0x1  }
0x52: {  	v3 =	vand.u32 $0x7, v3;
	v4 =	vand.u32 $0xFFFFFFF0, v53  }
0x53: {  	v3 =	vor.u32 v3, v4  }
0x54: {  	v4 =	vperm.xlane v3, v0;
	_ =	sdelay $0x1  }
0x55: {  	v3 =	vperm.xlane v3, v2;
	v4 =	vadd.s32 v1, v4;
	_ =	sdelay $0x1  }
0x56: {  	v3 =	vadd.s32 v1, v3;
	_ =	sdelay $0x2  }
0x57: {  	[tilespmem:s29], [sflag:$0x1] =	stream.indirect_vreg.gather [hbm4b:s2+s3], $0x80, v4, vm0, $0xb8;
	[tilespmem:$0x10800] =	vst v63  }
0x58: {  	_ = 	snop  }
0x59: {  	[tilespmem:s30], [sflag:$0x1] =	stream.indirect_vreg.gather [hbm4b:s2+s3], $0x80, v3, vm0, $0xb8;
	[tilespmem:$0x10800] =	vst v63  }
0x5a: {  	v3 =	vld [tilespmem:$0x60];
	_ =	sdelay $0x4  }
0x5b: {  	v54 =	vshll.u32 v3, $0x1  }
0x5c: {  	v3 =	vand.u32 $0x7, v3;
	v4 =	vand.u32 $0xFFFFFFF0, v54  }
0x5d: {  	v3 =	vor.u32 v3, v4  }
0x5e: {  	v4 =	vperm.xlane v3, v0;
	_ =	sdelay $0x1  }
0x5f: {  	v3 =	vperm.xlane v3, v2;
	v4 =	vadd.s32 v1, v4;
	_ =	sdelay $0x1  }
0x60: {  	v3 =	vadd.s32 v1, v3;
	_ =	sdelay $0x2  }
0x61: {  	[tilespmem:s1], [sflag:$0x1] =	stream.indirect_vreg.gather [hbm4b:s2+s3], $0x80, v4, vm0, $0xb8;
	[tilespmem:$0x10800] =	vst v63  }
0x62: {  	_ = 	snop  }
0x63: {  	[tilespmem:s4], [sflag:$0x1] =	stream.indirect_vreg.gather [hbm4b:s2+s3], $0x80, v3, vm0, $0xb8;
	[tilespmem:$0x10800] =	vst v63  }
0x64: {  	v3 =	vld [tilespmem:$0x70];
	_ =	sdelay $0x4  }
0x65: {  	v55 =	vshll.u32 v3, $0x1  }
0x66: {  	v3 =	vand.u32 $0x7, v3;
	v4 =	vand.u32 $0xFFFFFFF0, v55  }
0x67: {  	v3 =	vor.u32 v3, v4  }
0x68: {  	v4 =	vperm.xlane v3, v0;
	_ =	sdelay $0x1  }
0x69: {  	v3 =	vperm.xlane v3, v2;
	v4 =	vadd.s32 v1, v4;
	_ =	sdelay $0x1  }
0x6a: {  	v3 =	vadd.s32 v1, v3;
	_ =	sdelay $0x2  }
0x6b: {  	[tilespmem:s5], [sflag:$0x1] =	stream.indirect_vreg.gather [hbm4b:s2+s3], $0x80, v4, vm0, $0xb8;
	[tilespmem:$0x10800] =	vst v63  }
0x6c: {  	_ = 	snop  }
0x6d: {  	[tilespmem:s6], [sflag:$0x1] =	stream.indirect_vreg.gather [hbm4b:s2+s3], $0x80, v3, vm0, $0xb8;
	[tilespmem:$0x10800] =	vst v63  }
0x6e: {  	v3 =	vld [tilespmem:$0x80];
	_ =	sdelay $0x4  }
0x6f: {  	v56 =	vshll.u32 v3, $0x1  }
0x70: {  	v3 =	vand.u32 $0x7, v3;
	v4 =	vand.u32 $0xFFFFFFF0, v56  }
0x71: {  	v3 =	vor.u32 v3, v4  }
0x72: {  	v4 =	vperm.xlane v3, v0;
	_ =	sdelay $0x1  }
0x73: {  	v3 =	vperm.xlane v3, v2;
	v4 =	vadd.s32 v1, v4;
	_ =	sdelay $0x1  }
0x74: {  	v3 =	vadd.s32 v1, v3;
	_ =	sdelay $0x2  }
0x75: {  	[tilespmem:s0], [sflag:$0x2] =	stream.indirect_vreg.gather [hbm4b:s2+s3], $0x80, v4, vm0, $0xb8;
	[tilespmem:$0x10800] =	vst v63  }
0x76: {  	_ = 	snop  }
0x77: {  	[tilespmem:s7], [sflag:$0x2] =	stream.indirect_vreg.gather [hbm4b:s2+s3], $0x80, v3, vm0, $0xb8;
	[tilespmem:$0x10800] =	vst v63  }
0x78: {  	v3 =	vld [tilespmem:$0x90];
	_ =	sdelay $0x4  }
0x79: {  	v57 =	vshll.u32 v3, $0x1  }
0x7a: {  	v3 =	vand.u32 $0x7, v3;
	v4 =	vand.u32 $0xFFFFFFF0, v57  }
0x7b: {  	v3 =	vor.u32 v3, v4  }
0x7c: {  	v4 =	vperm.xlane v3, v0;
	_ =	sdelay $0x1  }
0x7d: {  	v3 =	vperm.xlane v3, v2;
	v4 =	vadd.s32 v1, v4;
	_ =	sdelay $0x1  }
0x7e: {  	v3 =	vadd.s32 v1, v3;
	_ =	sdelay $0x2  }
0x7f: {  	[tilespmem:s8], [sflag:$0x2] =	stream.indirect_vreg.gather [hbm4b:s2+s3], $0x80, v4, vm0, $0xb8;
	[tilespmem:$0x10800] =	vst v63  }
0x80: {  	_ = 	snop  }
0x81: {  	[tilespmem:s10], [sflag:$0x2] =	stream.indirect_vreg.gather [hbm4b:s2+s3], $0x80, v3, vm0, $0xb8;
	[tilespmem:$0x10800] =	vst v63  }
0x82: {  	v3 =	vld [tilespmem:$0xA0];
	_ =	sdelay $0x4  }
0x83: {  	v58 =	vshll.u32 v3, $0x1  }
0x84: {  	v3 =	vand.u32 $0x7, v3;
	v4 =	vand.u32 $0xFFFFFFF0, v58  }
0x85: {  	v3 =	vor.u32 v3, v4  }
0x86: {  	v4 =	vperm.xlane v3, v0;
	_ =	sdelay $0x1  }
0x87: {  	v3 =	vperm.xlane v3, v2;
	v4 =	vadd.s32 v1, v4;
	_ =	sdelay $0x1  }
0x88: {  	v3 =	vadd.s32 v1, v3;
	_ =	sdelay $0x2  }
0x89: {  	[tilespmem:s11], [sflag:$0x2] =	stream.indirect_vreg.gather [hbm4b:s2+s3], $0x80, v4, vm0, $0xb8;
	[tilespmem:$0x10800] =	vst v63  }
0x8a: {  	_ = 	snop  }
0x8b: {  	[tilespmem:s12], [sflag:$0x2] =	stream.indirect_vreg.gather [hbm4b:s2+s3], $0x80, v3, vm0, $0xb8;
	[tilespmem:$0x10800] =	vst v63  }
0x8c: {  	v3 =	vld [tilespmem:$0xB0];
	_ =	sdelay $0x4  }
0x8d: {  	v59 =	vshll.u32 v3, $0x1  }
0x8e: {  	v3 =	vand.u32 $0x7, v3;
	v4 =	vand.u32 $0xFFFFFFF0, v59  }
0x8f: {  	v3 =	vor.u32 v3, v4  }
0x90: {  	v4 =	vperm.xlane v3, v0;
	_ =	sdelay $0x1  }
0x91: {  	v3 =	vperm.xlane v3, v2;
	v4 =	vadd.s32 v1, v4;
	_ =	sdelay $0x1  }
0x92: {  	v3 =	vadd.s32 v1, v3;
	_ =	sdelay $0x2  }
0x93: {  	[tilespmem:s9], [sflag:$0x2] =	stream.indirect_vreg.gather [hbm4b:s2+s3], $0x80, v4, vm0, $0xb8;
	[tilespmem:$0x10800] =	vst v63  }
0x94: {  	_ = 	snop  }
0x95: {  	[tilespmem:s31], [sflag:$0x2] =	stream.indirect_vreg.gather [hbm4b:s2+s3], $0x80, v3, vm0, $0xb8;
	[tilespmem:$0x10800] =	vst v63  }
0x96: {  	v3 =	vld [tilespmem:$0xC0];
	_ =	sdelay $0x4  }
0x97: {  	v60 =	vshll.u32 v3, $0x1  }
0x98: {  	v3 =	vand.u32 $0x7, v3;
	v4 =	vand.u32 $0xFFFFFFF0, v60  }
0x99: {  	v3 =	vor.u32 v3, v4  }
0x9a: {  	v4 =	vperm.xlane v3, v0;
	_ =	sdelay $0x1  }
0x9b: {  	v3 =	vperm.xlane v3, v2;
	v4 =	vadd.s32 v1, v4;
	_ =	sdelay $0x1  }
0x9c: {  	v3 =	vadd.s32 v1, v3;
	_ =	sdelay $0x1  }
0x9d: {  	s21 =	simm.s32 $0xC800  }
0x9e: {  	[tilespmem:s21], [sflag:$0x2] =	stream.indirect_vreg.gather [hbm4b:s2+s3], $0x80, v4, vm0, $0xb8;
	[tilespmem:$0x10800] =	vst v63  }
0x9f: {  	s22 =	simm.s32 $0xD000  }
0xa0: {  	[tilespmem:s22], [sflag:$0x2] =	stream.indirect_vreg.gather [hbm4b:s2+s3], $0x80, v3, vm0, $0xb8;
	[tilespmem:$0x10800] =	vst v63  }
0xa1: {  	v3 =	vld [tilespmem:$0xD0];
	_ =	sdelay $0x4  }
0xa2: {  	v61 =	vshll.u32 v3, $0x1  }
0xa3: {  	v3 =	vand.u32 $0x7, v3;
	v4 =	vand.u32 $0xFFFFFFF0, v61  }
0xa4: {  	v3 =	vor.u32 v3, v4  }
0xa5: {  	v4 =	vperm.xlane v3, v0;
	_ =	sdelay $0x1  }
0xa6: {  	v3 =	vperm.xlane v3, v2;
	v4 =	vadd.s32 v1, v4;
	_ =	sdelay $0x1  }
0xa7: {  	v3 =	vadd.s32 v1, v3;
	_ =	sdelay $0x1  }
0xa8: {  	s23 =	simm.s32 $0xD800  }
0xa9: {  	[tilespmem:s23], [sflag:$0x2] =	stream.indirect_vreg.gather [hbm4b:s2+s3], $0x80, v4, vm0, $0xb8;
	[tilespmem:$0x10800] =	vst v63  }
0xaa: {  	s24 =	simm.s32 $0xE000  }
0xab: {  	[tilespmem:s24], [sflag:$0x2] =	stream.indirect_vreg.gather [hbm4b:s2+s3], $0x80, v3, vm0, $0xb8;
	[tilespmem:$0x10800] =	vst v63  }
0xac: {  	v3 =	vld [tilespmem:$0xE0];
	_ =	sdelay $0x4  }
0xad: {  	v62 =	vshll.u32 v3, $0x1  }
0xae: {  	v3 =	vand.u32 $0x7, v3;
	v4 =	vand.u32 $0xFFFFFFF0, v62  }
0xaf: {  	v3 =	vor.u32 v3, v4  }
0xb0: {  	v4 =	vperm.xlane v3, v0;
	_ =	sdelay $0x1  }
0xb1: {  	v3 =	vperm.xlane v3, v2;
	v4 =	vadd.s32 v1, v4;
	_ =	sdelay $0x1  }
0xb2: {  	v3 =	vadd.s32 v1, v3;
	_ =	sdelay $0x1  }
0xb3: {  	s25 =	simm.s32 $0xE800  }
0xb4: {  	[tilespmem:s25], [sflag:$0x2] =	stream.indirect_vreg.gather [hbm4b:s2+s3], $0x80, v4, vm0, $0xb8;
	[tilespmem:$0x10800] =	vst v63  }
0xb5: {  	s26 =	simm.s32 $0xF000  }
0xb6: {  	[tilespmem:s26], [sflag:$0x2] =	stream.indirect_vreg.gather [hbm4b:s2+s3], $0x80, v3, vm0, $0xb8;
	[tilespmem:$0x10800] =	vst v63  }
0xb7: {  	v3 =	vld [tilespmem:$0xF0];
	_ =	sdelay $0x4  }
0xb8: {  	v63 =	vshll.u32 v3, $0x1  }
0xb9: {  	v3 =	vand.u32 $0x7, v3;
	v4 =	vand.u32 $0xFFFFFFF0, v63  }
0xba: {  	v3 =	vor.u32 v3, v4  }
0xbb: {  	v4 =	vperm.xlane v3, v0  }
0xbc: {  	s17 =	simm.s32 $0x1F0;
	s18 =	simm.s32 $0x0;
	s20 =	simm.s32 $0xF800  }
0xbd: {  	s28 =	simm.s32 $0xC000;
	s29 =	simm.s32 $0x4800;
	s30 =	simm.s32 $0x5000;
	v3 =	vperm.xlane v3, v2;
	v4 =	vadd.s32 v1, v4  }
0xbe: {  	s1 =	simm.s32 $0x6800;
	s4 =	simm.s32 $0x7000;
	s5 =	simm.s32 $0x7800  }
0xbf: {  	s6 =	simm.s32 $0x8000;
	s7 =	simm.s32 $0x9000;
	s8 =	simm.s32 $0x9800;
	v3 =	vadd.s32 v1, v3  }
0xc0: {  	s10 =	simm.s32 $0xA000;
	s11 =	simm.s32 $0xA800;
	s12 =	simm.s32 $0xB000  }
0xc1: {  	s9 =	simm.s32 $0xB800;
	s31 =	simm.s32 $0x5800;
	s21 =	simm.s32 $0x1800  }
0xc2: {  	[tilespmem:s20], [sflag:$0x2] =	stream.indirect_vreg.gather [hbm4b:s2+s3], $0x80, v4, vm0, $0xb8;
	[tilespmem:$0x10800] =	vst v63  }
0xc3: {  	s23 =	simm.s32 $0x2800;
	s24 =	simm.s32 $0x10000;
	s26 =	simm.s32 $0x3800  }
0xc4: {  	[tilespmem:s24], [sflag:$0x2] =	stream.indirect_vreg.gather [hbm4b:s2+s3], $0x80, v3, vm0, $0xb8;
	[tilespmem:$0x10800] =	vst v63  }
.LBB2_2:
0xc5: {  	_ =	swait.ge [sflag:s13], $0x8000  }
0xc6: {  	s19 =	rddreg [dreg:$0x4];
	[sflag:s13] =	ssyncset.done $0x0  }
0xc7: {  	s0 =	simm.s32 $0x800;
	[sflag:s13] =	ssyncadd.s32 $0xFFFF8000;
	s19 =	sadd.s32 s18, s19  }
0xc8: {  	[hbm4b:s19+s3] =	stream.linear.scatter [tilespmem:s0], [sflag:$0x3], $0x8000, $0x38;
	[tilespmem:$0x10800] =	vst v63  }
0xc9: {  	_ =	swait.ge [sflag:s14], $0x8000  }
0xca: {  	[sflag:s14] =	ssyncset.done $0x0  }
0xcb: {  	[sflag:s14] =	ssyncadd.s32 $0xFFFF8000  }
0xcc: {  	v3 =	vld [tilespmem:s17+$0xFFFFFF10];
	_ =	sdelay $0x4  }
0xcd: {  	v4 =	vshll.u32 v3, $0x1  }
0xce: {  	v3 =	vand.u32 $0x7, v3;
	v4 =	vand.u32 $0xFFFFFFF0, v4  }
0xcf: {  	v3 =	vor.u32 v3, v4  }
0xd0: {  	v4 =	vperm.xlane v3, v0;
	_ =	sdelay $0x1  }
0xd1: {  	v3 =	vperm.xlane v3, v2;
	v4 =	vadd.s32 v1, v4;
	_ =	sdelay $0x1  }
0xd2: {  	v3 =	vadd.s32 v1, v3;
	_ =	sdelay $0x2  }
0xd3: {  	[tilespmem:s0], [sflag:$0x1] =	stream.indirect_vreg.gather [hbm4b:s2+s3], $0x80, v4, vm0, $0xb8;
	[tilespmem:$0x10800] =	vst v63  }
0xd4: {  	s22 =	simm.s32 $0x1000  }
0xd5: {  	[tilespmem:s22], [sflag:$0x1] =	stream.indirect_vreg.gather [hbm4b:s2+s3], $0x80, v3, vm0, $0xb8;
	[tilespmem:$0x10800] =	vst v63  }
0xd6: {  	v3 =	vld [tilespmem:s17+$0xFFFFFF20];
	_ =	sdelay $0x4  }
0xd7: {  	v49 =	vshll.u32 v3, $0x1  }
0xd8: {  	v3 =	vand.u32 $0x7, v3;
	v4 =	vand.u32 $0xFFFFFFF0, v49  }
0xd9: {  	v3 =	vor.u32 v3, v4  }
0xda: {  	v4 =	vperm.xlane v3, v0;
	_ =	sdelay $0x1  }
0xdb: {  	v3 =	vperm.xlane v3, v2;
	v4 =	vadd.s32 v1, v4;
	_ =	sdelay $0x1  }
0xdc: {  	v3 =	vadd.s32 v1, v3;
	_ =	sdelay $0x2  }
0xdd: {  	[tilespmem:s21], [sflag:$0x1] =	stream.indirect_vreg.gather [hbm4b:s2+s3], $0x80, v4, vm0, $0xb8;
	[tilespmem:$0x10800] =	vst v63  }
0xde: {  	s22 =	simm.s32 $0x2000  }
0xdf: {  	[tilespmem:s22], [sflag:$0x1] =	stream.indirect_vreg.gather [hbm4b:s2+s3], $0x80, v3, vm0, $0xb8;
	[tilespmem:$0x10800] =	vst v63  }
0xe0: {  	v3 =	vld [tilespmem:s17+$0xFFFFFF30];
	_ =	sdelay $0x4  }
0xe1: {  	v50 =	vshll.u32 v3, $0x1  }
0xe2: {  	v3 =	vand.u32 $0x7, v3;
	v4 =	vand.u32 $0xFFFFFFF0, v50  }
0xe3: {  	v3 =	vor.u32 v3, v4  }
0xe4: {  	v4 =	vperm.xlane v3, v0;
	_ =	sdelay $0x1  }
0xe5: {  	v3 =	vperm.xlane v3, v2;
	v4 =	vadd.s32 v1, v4;
	_ =	sdelay $0x1  }
0xe6: {  	v3 =	vadd.s32 v1, v3;
	_ =	sdelay $0x2  }
0xe7: {  	[tilespmem:s23], [sflag:$0x1] =	stream.indirect_vreg.gather [hbm4b:s2+s3], $0x80, v4, vm0, $0xb8;
	[tilespmem:$0x10800] =	vst v63  }
0xe8: {  	s22 =	simm.s32 $0x3000  }
0xe9: {  	[tilespmem:s22], [sflag:$0x1] =	stream.indirect_vreg.gather [hbm4b:s2+s3], $0x80, v3, vm0, $0xb8;
	[tilespmem:$0x10800] =	vst v63  }
0xea: {  	v3 =	vld [tilespmem:s17+$0xFFFFFF40];
	_ =	sdelay $0x4  }
0xeb: {  	v51 =	vshll.u32 v3, $0x1  }
0xec: {  	v3 =	vand.u32 $0x7, v3;
	v4 =	vand.u32 $0xFFFFFFF0, v51  }
0xed: {  	v3 =	vor.u32 v3, v4  }
0xee: {  	v4 =	vperm.xlane v3, v0;
	_ =	sdelay $0x1  }
0xef: {  	v3 =	vperm.xlane v3, v2;
	v4 =	vadd.s32 v1, v4;
	_ =	sdelay $0x1  }
0xf0: {  	v3 =	vadd.s32 v1, v3;
	_ =	sdelay $0x2  }
0xf1: {  	[tilespmem:s26], [sflag:$0x1] =	stream.indirect_vreg.gather [hbm4b:s2+s3], $0x80, v4, vm0, $0xb8;
	[tilespmem:$0x10800] =	vst v63  }
0xf2: {  	s22 =	simm.s32 $0x4000  }
0xf3: {  	[tilespmem:s22], [sflag:$0x1] =	stream.indirect_vreg.gather [hbm4b:s2+s3], $0x80, v3, vm0, $0xb8;
	[tilespmem:$0x10800] =	vst v63  }
0xf4: {  	v3 =	vld [tilespmem:s17+$0xFFFFFF50];
	_ =	sdelay $0x4  }
0xf5: {  	v52 =	vshll.u32 v3, $0x1  }
0xf6: {  	v3 =	vand.u32 $0x7, v3;
	v4 =	vand.u32 $0xFFFFFFF0, v52  }
0xf7: {  	v3 =	vor.u32 v3, v4  }
0xf8: {  	v4 =	vperm.xlane v3, v0;
	_ =	sdelay $0x1  }
0xf9: {  	v3 =	vperm.xlane v3, v2;
	v4 =	vadd.s32 v1, v4;
	_ =	sdelay $0x1  }
0xfa: {  	v3 =	vadd.s32 v1, v3;
	_ =	sdelay $0x2  }
0xfb: {  	[tilespmem:s29], [sflag:$0x1] =	stream.indirect_vreg.gather [hbm4b:s2+s3], $0x80, v4, vm0, $0xb8;
	[tilespmem:$0x10800] =	vst v63  }
0xfc: {  	_ = 	snop  }
0xfd: {  	[tilespmem:s30], [sflag:$0x1] =	stream.indirect_vreg.gather [hbm4b:s2+s3], $0x80, v3, vm0, $0xb8;
	[tilespmem:$0x10800] =	vst v63  }
0xfe: {  	v3 =	vld [tilespmem:s17+$0xFFFFFF60];
	_ =	sdelay $0x4  }
0xff: {  	v53 =	vshll.u32 v3, $0x1  }
0x100: {  	v3 =	vand.u32 $0x7, v3;
	v4 =	vand.u32 $0xFFFFFFF0, v53  }
0x101: {  	v3 =	vor.u32 v3, v4  }
0x102: {  	v4 =	vperm.xlane v3, v0;
	_ =	sdelay $0x1  }
0x103: {  	v3 =	vperm.xlane v3, v2;
	v4 =	vadd.s32 v1, v4;
	_ =	sdelay $0x1  }
0x104: {  	v3 =	vadd.s32 v1, v3;
	_ =	sdelay $0x2  }
0x105: {  	[tilespmem:s31], [sflag:$0x1] =	stream.indirect_vreg.gather [hbm4b:s2+s3], $0x80, v4, vm0, $0xb8;
	[tilespmem:$0x10800] =	vst v63  }
0x106: {  	s22 =	simm.s32 $0x6000  }
0x107: {  	[tilespmem:s22], [sflag:$0x1] =	stream.indirect_vreg.gather [hbm4b:s2+s3], $0x80, v3, vm0, $0xb8;
	[tilespmem:$0x10800] =	vst v63  }
0x108: {  	v3 =	vld [tilespmem:s17+$0xFFFFFF70];
	_ =	sdelay $0x4  }
0x109: {  	v54 =	vshll.u32 v3, $0x1  }
0x10a: {  	v3 =	vand.u32 $0x7, v3;
	v4 =	vand.u32 $0xFFFFFFF0, v54  }
0x10b: {  	v3 =	vor.u32 v3, v4  }
0x10c: {  	v4 =	vperm.xlane v3, v0;
	_ =	sdelay $0x1  }
0x10d: {  	v3 =	vperm.xlane v3, v2;
	v4 =	vadd.s32 v1, v4;
	_ =	sdelay $0x1  }
0x10e: {  	v3 =	vadd.s32 v1, v3;
	_ =	sdelay $0x2  }
0x10f: {  	[tilespmem:s1], [sflag:$0x1] =	stream.indirect_vreg.gather [hbm4b:s2+s3], $0x80, v4, vm0, $0xb8;
	[tilespmem:$0x10800] =	vst v63  }
0x110: {  	_ = 	snop  }
0x111: {  	[tilespmem:s4], [sflag:$0x1] =	stream.indirect_vreg.gather [hbm4b:s2+s3], $0x80, v3, vm0, $0xb8;
	[tilespmem:$0x10800] =	vst v63  }
0x112: {  	v3 =	vld [tilespmem:s17+$0xFFFFFF80];
	_ =	sdelay $0x4  }
0x113: {  	v55 =	vshll.u32 v3, $0x1  }
0x114: {  	v3 =	vand.u32 $0x7, v3;
	v4 =	vand.u32 $0xFFFFFFF0, v55  }
0x115: {  	v3 =	vor.u32 v3, v4  }
0x116: {  	v4 =	vperm.xlane v3, v0;
	_ =	sdelay $0x1  }
0x117: {  	v3 =	vperm.xlane v3, v2;
	v4 =	vadd.s32 v1, v4;
	_ =	sdelay $0x1  }
0x118: {  	v3 =	vadd.s32 v1, v3;
	_ =	sdelay $0x2  }
0x119: {  	[tilespmem:s5], [sflag:$0x1] =	stream.indirect_vreg.gather [hbm4b:s2+s3], $0x80, v4, vm0, $0xb8;
	[tilespmem:$0x10800] =	vst v63  }
0x11a: {  	_ = 	snop  }
0x11b: {  	[tilespmem:s6], [sflag:$0x1] =	stream.indirect_vreg.gather [hbm4b:s2+s3], $0x80, v3, vm0, $0xb8;
	[tilespmem:$0x10800] =	vst v63  }
0x11c: {  	_ =	swait.ge [sflag:s15], $0x8000  }
0x11d: {  	[sflag:s15] =	ssyncset.done $0x0  }
0x11e: {  	s19 =	sadd.s32 $0x1000, s19;
	s22 =	simm.s32 $0x8800;
	[sflag:s15] =	ssyncadd.s32 $0xFFFF8000  }
0x11f: {  	[hbm4b:s19+s3] =	stream.linear.scatter [tilespmem:s22], [sflag:$0x4], $0x8000, $0x38;
	[tilespmem:$0x10800] =	vst v63  }
0x120: {  	_ =	swait.ge [sflag:s16], $0x8000  }
0x121: {  	[sflag:s16] =	ssyncset.done $0x0  }
0x122: {  	[sflag:s16] =	ssyncadd.s32 $0xFFFF8000  }
0x123: {  	v3 =	vld [tilespmem:s17+$0xFFFFFF90];
	_ =	sdelay $0x4  }
0x124: {  	v56 =	vshll.u32 v3, $0x1  }
0x125: {  	v3 =	vand.u32 $0x7, v3;
	v4 =	vand.u32 $0xFFFFFFF0, v56  }
0x126: {  	v3 =	vor.u32 v3, v4  }
0x127: {  	v4 =	vperm.xlane v3, v0;
	_ =	sdelay $0x1  }
0x128: {  	v3 =	vperm.xlane v3, v2;
	v4 =	vadd.s32 v1, v4;
	_ =	sdelay $0x1  }
0x129: {  	v3 =	vadd.s32 v1, v3;
	_ =	sdelay $0x2  }
0x12a: {  	[tilespmem:s22], [sflag:$0x2] =	stream.indirect_vreg.gather [hbm4b:s2+s3], $0x80, v4, vm0, $0xb8;
	[tilespmem:$0x10800] =	vst v63  }
0x12b: {  	_ = 	snop  }
0x12c: {  	[tilespmem:s7], [sflag:$0x2] =	stream.indirect_vreg.gather [hbm4b:s2+s3], $0x80, v3, vm0, $0xb8;
	[tilespmem:$0x10800] =	vst v63  }
0x12d: {  	v3 =	vld [tilespmem:s17+$0xFFFFFFA0];
	_ =	sdelay $0x4  }
0x12e: {  	v57 =	vshll.u32 v3, $0x1  }
0x12f: {  	v3 =	vand.u32 $0x7, v3;
	v4 =	vand.u32 $0xFFFFFFF0, v57  }
0x130: {  	v3 =	vor.u32 v3, v4  }
0x131: {  	v4 =	vperm.xlane v3, v0;
	_ =	sdelay $0x1  }
0x132: {  	v3 =	vperm.xlane v3, v2;
	v4 =	vadd.s32 v1, v4;
	_ =	sdelay $0x1  }
0x133: {  	v3 =	vadd.s32 v1, v3;
	_ =	sdelay $0x2  }
0x134: {  	[tilespmem:s8], [sflag:$0x2] =	stream.indirect_vreg.gather [hbm4b:s2+s3], $0x80, v4, vm0, $0xb8;
	[tilespmem:$0x10800] =	vst v63  }
0x135: {  	_ = 	snop  }
0x136: {  	[tilespmem:s10], [sflag:$0x2] =	stream.indirect_vreg.gather [hbm4b:s2+s3], $0x80, v3, vm0, $0xb8;
	[tilespmem:$0x10800] =	vst v63  }
0x137: {  	v3 =	vld [tilespmem:s17+$0xFFFFFFB0];
	_ =	sdelay $0x4  }
0x138: {  	v58 =	vshll.u32 v3, $0x1  }
0x139: {  	v3 =	vand.u32 $0x7, v3;
	v4 =	vand.u32 $0xFFFFFFF0, v58  }
0x13a: {  	v3 =	vor.u32 v3, v4  }
0x13b: {  	v4 =	vperm.xlane v3, v0;
	_ =	sdelay $0x1  }
0x13c: {  	v3 =	vperm.xlane v3, v2;
	v4 =	vadd.s32 v1, v4;
	_ =	sdelay $0x1  }
0x13d: {  	v3 =	vadd.s32 v1, v3;
	_ =	sdelay $0x2  }
0x13e: {  	[tilespmem:s11], [sflag:$0x2] =	stream.indirect_vreg.gather [hbm4b:s2+s3], $0x80, v4, vm0, $0xb8;
	[tilespmem:$0x10800] =	vst v63  }
0x13f: {  	_ = 	snop  }
0x140: {  	[tilespmem:s12], [sflag:$0x2] =	stream.indirect_vreg.gather [hbm4b:s2+s3], $0x80, v3, vm0, $0xb8;
	[tilespmem:$0x10800] =	vst v63  }
0x141: {  	v3 =	vld [tilespmem:s17+$0xFFFFFFC0];
	_ =	sdelay $0x4  }
0x142: {  	v59 =	vshll.u32 v3, $0x1  }
0x143: {  	v3 =	vand.u32 $0x7, v3;
	v4 =	vand.u32 $0xFFFFFFF0, v59  }
0x144: {  	v3 =	vor.u32 v3, v4  }
0x145: {  	v4 =	vperm.xlane v3, v0;
	_ =	sdelay $0x1  }
0x146: {  	v3 =	vperm.xlane v3, v2;
	v4 =	vadd.s32 v1, v4;
	_ =	sdelay $0x1  }
0x147: {  	v3 =	vadd.s32 v1, v3;
	_ =	sdelay $0x2  }
0x148: {  	[tilespmem:s9], [sflag:$0x2] =	stream.indirect_vreg.gather [hbm4b:s2+s3], $0x80, v4, vm0, $0xb8;
	[tilespmem:$0x10800] =	vst v63  }
0x149: {  	_ = 	snop  }
0x14a: {  	[tilespmem:s28], [sflag:$0x2] =	stream.indirect_vreg.gather [hbm4b:s2+s3], $0x80, v3, vm0, $0xb8;
	[tilespmem:$0x10800] =	vst v63  }
0x14b: {  	v3 =	vld [tilespmem:s17+$0xFFFFFFD0];
	_ =	sdelay $0x4  }
0x14c: {  	v60 =	vshll.u32 v3, $0x1  }
0x14d: {  	v3 =	vand.u32 $0x7, v3;
	v4 =	vand.u32 $0xFFFFFFF0, v60  }
0x14e: {  	v3 =	vor.u32 v3, v4  }
0x14f: {  	v4 =	vperm.xlane v3, v0;
	_ =	sdelay $0x1  }
0x150: {  	v3 =	vperm.xlane v3, v2;
	v4 =	vadd.s32 v1, v4;
	_ =	sdelay $0x1  }
0x151: {  	v3 =	vadd.s32 v1, v3;
	_ =	sdelay $0x1  }
0x152: {  	s22 =	simm.s32 $0xC800  }
0x153: {  	[tilespmem:s22], [sflag:$0x2] =	stream.indirect_vreg.gather [hbm4b:s2+s3], $0x80, v4, vm0, $0xb8;
	[tilespmem:$0x10800] =	vst v63  }
0x154: {  	s22 =	simm.s32 $0xD000  }
0x155: {  	[tilespmem:s22], [sflag:$0x2] =	stream.indirect_vreg.gather [hbm4b:s2+s3], $0x80, v3, vm0, $0xb8;
	[tilespmem:$0x10800] =	vst v63  }
0x156: {  	v3 =	vld [tilespmem:s17+$0xFFFFFFE0];
	_ =	sdelay $0x4  }
0x157: {  	v61 =	vshll.u32 v3, $0x1  }
0x158: {  	v3 =	vand.u32 $0x7, v3;
	v4 =	vand.u32 $0xFFFFFFF0, v61  }
0x159: {  	v3 =	vor.u32 v3, v4  }
0x15a: {  	v4 =	vperm.xlane v3, v0;
	_ =	sdelay $0x1  }
0x15b: {  	v3 =	vperm.xlane v3, v2;
	v4 =	vadd.s32 v1, v4;
	_ =	sdelay $0x1  }
0x15c: {  	v3 =	vadd.s32 v1, v3;
	_ =	sdelay $0x1  }
0x15d: {  	s22 =	simm.s32 $0xD800  }
0x15e: {  	[tilespmem:s22], [sflag:$0x2] =	stream.indirect_vreg.gather [hbm4b:s2+s3], $0x80, v4, vm0, $0xb8;
	[tilespmem:$0x10800] =	vst v63  }
0x15f: {  	s22 =	simm.s32 $0xE000  }
0x160: {  	[tilespmem:s22], [sflag:$0x2] =	stream.indirect_vreg.gather [hbm4b:s2+s3], $0x80, v3, vm0, $0xb8;
	[tilespmem:$0x10800] =	vst v63  }
0x161: {  	v3 =	vld [tilespmem:s17+$0xFFFFFFF0];
	_ =	sdelay $0x4  }
0x162: {  	v62 =	vshll.u32 v3, $0x1  }
0x163: {  	v3 =	vand.u32 $0x7, v3;
	v4 =	vand.u32 $0xFFFFFFF0, v62  }
0x164: {  	v3 =	vor.u32 v3, v4  }
0x165: {  	v4 =	vperm.xlane v3, v0;
	_ =	sdelay $0x1  }
0x166: {  	v3 =	vperm.xlane v3, v2;
	v4 =	vadd.s32 v1, v4;
	_ =	sdelay $0x1  }
0x167: {  	v3 =	vadd.s32 v1, v3;
	_ =	sdelay $0x1  }
0x168: {  	s22 =	simm.s32 $0xE800  }
0x169: {  	[tilespmem:s22], [sflag:$0x2] =	stream.indirect_vreg.gather [hbm4b:s2+s3], $0x80, v4, vm0, $0xb8;
	[tilespmem:$0x10800] =	vst v63  }
0x16a: {  	s22 =	simm.s32 $0xF000  }
0x16b: {  	[tilespmem:s22], [sflag:$0x2] =	stream.indirect_vreg.gather [hbm4b:s2+s3], $0x80, v3, vm0, $0xb8;
	[tilespmem:$0x10800] =	vst v63  }
0x16c: {  	v3 =	vld [tilespmem:s17+$0x0];
	_ =	sdelay $0x4  }
0x16d: {  	v63 =	vshll.u32 v3, $0x1  }
0x16e: {  	v3 =	vand.u32 $0x7, v3;
	v4 =	vand.u32 $0xFFFFFFF0, v63  }
0x16f: {  	v3 =	vor.u32 v3, v4  }
0x170: {  	v4 =	vperm.xlane v3, v0;
	_ =	sdelay $0x1  }
0x171: {  	v3 =	vperm.xlane v3, v2;
	v4 =	vadd.s32 v1, v4;
	_ =	sdelay $0x1  }
0x172: {  	p0 =	sne.s32 s18, $0xC000;
	v3 =	vadd.s32 v1, v3  }
.Ltmp0:
0x173: {  	_ = 	snop;
	(pc) =	sbr.rel @p0 .LBB2_2-.Ltmp0, $4  }
0x174: {  	s25 =	simm.s32 $0x800  }
0x175: {  	[tilespmem:s20], [sflag:$0x2] =	stream.indirect_vreg.gather [hbm4b:s2+s3], $0x80, v4, vm0, $0xb8;
	[tilespmem:$0x10800] =	vst v63  }
0x176: {  	s18 =	sadd.s32 $0x2000, s18;
	s0 =	simm.s32 $0x8800;
	s17 =	sadd.s32 $0x100, s17  }
0x177: {  	[tilespmem:s24], [sflag:$0x2] =	stream.indirect_vreg.gather [hbm4b:s2+s3], $0x80, v3, vm0, $0xb8;
	[tilespmem:$0x10800] =	vst v63  }
0x178: {  	_ =	swait.ge [sflag:s13], $0x8000  }
0x179: {  	[sflag:s13] =	ssyncset.done $0x0  }
0x17a: {  	s17 =	rddreg [dreg:$0x6];
	[sflag:s13] =	ssyncadd.s32 $0xFFFF8000  }
0x17b: {  	[hbm4b:s17+s3] =	stream.linear.scatter [tilespmem:s25], [sflag:$0x3], $0x8000, $0x38;
	[tilespmem:$0x10800] =	vst v63  }
0x17c: {  	_ =	swait.ge [sflag:s14], $0x8000  }
0x17d: {  	[sflag:s14] =	ssyncset.done $0x0  }
0x17e: {  	[sflag:s14] =	ssyncadd.s32 $0xFFFF8000  }
0x17f: {  	s18 =	simm.s32 $0x1000;
	_ =	swait.ge [sflag:s15], $0x8000  }
0x180: {  	s19 =	simm.s32 $0x1800;
	s20 =	simm.s32 $0x2000;
	[sflag:s15] =	ssyncset.done $0x0  }
0x181: {  	s21 =	simm.s32 $0x2800;
	s24 =	rddreg [dreg:$0x7];
	[sflag:s15] =	ssyncadd.s32 $0xFFFF8000  }
0x182: {  	[hbm4b:s24+s3] =	stream.linear.scatter [tilespmem:s0], [sflag:$0x4], $0x8000, $0x38;
	[tilespmem:$0x10800] =	vst v63  }
0x183: {  	s22 =	simm.s32 $0x3000;
	s23 =	simm.s32 $0x3800;
	_ =	swait.ge [sflag:s16], $0x8000  }
0x184: {  	s28 =	simm.s32 $0x5000;
	s29 =	simm.s32 $0x5800;
	s1 =	rddreg [dreg:$0x9]  }
0x185: {  	s30 =	simm.s32 $0x6000;
	s26 =	rddreg [dreg:$0x8];
	s1 =	sadd.s32 $0x1, s1  }
0x186: {  	s4 =	simm.s32 $0x7000;
	s5 =	simm.s32 $0x7800;
	p0 =	sne.s32 s1, s26  }
.Ltmp1:
0x187: {  	s6 =	simm.s32 $0x8000;
	s7 =	simm.s32 $0x9000;
	(pc) =	sbr.rel @p0 .LBB2_1-.Ltmp1, $4  }
0x188: {  	s8 =	simm.s32 $0x9800;
	s10 =	simm.s32 $0xA000;
	s11 =	simm.s32 $0xA800  }
0x189: {  	s12 =	simm.s32 $0xB000;
	s9 =	simm.s32 $0xB800;
	[sflag:s16] =	ssyncset.done $0x0  }
0x18a: {  	s31 =	simm.s32 $0xC000;
	s24 =	simm.s32 $0x4000;
	[sflag:s16] =	ssyncadd.s32 $0xFFFF8000  }
0x18b: {  	[dreg:$0x9] =	wrdreg s1;
	s26 =	simm.s32 $0x4800;
	s1 =	simm.s32 $0x6800  }
0x18c: {  	_ =	sfence.sel $0x180000  }
0x18d: {  	[bflag:$0x0] =	sbarrier.arrive $0xFFFF  }
0x18e: {  	_ =	strace $0x90000047  }
0x18f: {  	s0 =	stileid.u32;
	[bflag:$0x2] =	sbarrier.arrive $0xFFFF  }
0x190: {  	p0 =	sne.s32 s0, $0x0;
	s0 =	rddreg [dreg:$0x3]  }
0x191: {  	s0 =	sadd.s32 @!p0 $0x100000, s0  }
0x192: {  	[sflag:s0] =	ssyncadd.tile.s32 @!p0 $0x1;
	_ =	shalt  }
.Lfunc_end2:
_tile_overlayer_lowered:
.L_overlay_start_2:
0x193: {  	(tag) =	ssettag $0x2  }
0x194: {  	s0 =	rddreg [dreg:$0x0];
	s2 =	stileid.u32  }
0x195: {  	s1 =	rddreg [dreg:$0x1];
	p0 =	sne.s32 s2, $0x0  }
0x196: {  	s3 =	rddreg [dreg:$0x2];
	[bflag:$0x3] =	sbarrier.arrive $0xFFFF;
	s2 =	simm.s32 @!p0 $0x1C05  }
0x197: {  	[timem:s3], [sflag:s2] =	dma.local @!p0 [hbm:s0], s1  }
0x198: {  	s0 =	simm.s32 @!p0 $0x5  }
0x199: {  	_ =	swait.ge @!p0 [sflag:s0], s1  }
0x19a: {  	s1 =	ssub.s32 @!p0 $0x0, s1;
	[sflag:s0] =	ssyncset.done @!p0 $0x0  }
0x19b: {  	[sflag:s0] =	ssyncadd.s32 @!p0 s1  }
0x19c: {  	[bflag:$0x3] =	sbarrier.arrive $0xFFFF  }
0x19d: {  	_ =	shalt  }

</sc_bundles>
